<compile_context>
chip_gen: v7x
topology: tpu7x:2x2x1
jax: 0.10.2.dev20260603
libtpu: 0.0.44.dev20260713+nightly
codegen_flags: <defaults>
</compile_context>

<pallas_src>
import functools

import jax
import jax.numpy as jnp
from jax import lax
from jax.experimental import pallas as pl
from jax.experimental.pallas import tpu as pltpu
from jax.experimental.pallas import tpu_sc as plsc

DIM = 64
N_EMBED = 1024
POS_DIM = 16
POS_EMBED = 128
TOKENS = 16384
BLOCK = 1024
GRID = TOKENS // BLOCK


def _make_cb(emb, gate):
    row = lax.broadcasted_iota(jnp.int32, (DIM, N_EMBED), 0)
    col = lax.broadcasted_iota(jnp.int32, (DIM, N_EMBED), 1)
    mask = ((row < DIM - POS_DIM) == (col < N_EMBED - POS_EMBED)).astype(
        jnp.float32)
    emb_masked = emb * mask
    cb = emb_masked * gate
    return emb_masked, cb


def _tc_common(x, cb, cnorm):
    xcb = jnp.dot(x, cb, preferred_element_type=jnp.float32)
    s = cnorm - 2.0 * xcb
    mins = jnp.min(s, axis=1, keepdims=True)
    onehot = (s <= mins).astype(jnp.float32)
    r2 = lax.broadcasted_iota(jnp.int32, (2, N_EMBED), 0)
    j2 = lax.broadcasted_iota(jnp.int32, (2, N_EMBED), 1)
    w2 = jnp.where(r2 == 0, j2 // 8, j2 % 8).astype(jnp.float32)
    hl = lax.dot_general(w2, onehot, (((1,), (1,)), ((), ())),
                         preferred_element_type=jnp.float32)
    ind = 8.0 * lax.slice(hl, (0, 0), (1, BLOCK)) + lax.slice(
        hl, (1, 0), (2, BLOCK))
    ind = jnp.minimum(ind, jnp.float32(N_EMBED - 1))
    ind_row = ind.astype(jnp.int32)

    fnorm = jnp.sum(x * x, axis=1, keepdims=True)
    diff = ((jnp.sum(fnorm) + jnp.sum(mins)) / jnp.float32(BLOCK * DIM))
    return onehot, ind_row, diff


def _tc_body_a(x_ref, emb_ref, gate_ref, ind_ref, eind_ref, diff_ref, cb_ref,
               cb_s, cn_s):
    b = pl.program_id(0)

    @pl.when(b == 0)
    def _():
        emb_masked, cb0 = _make_cb(emb_ref[...], gate_ref[0, 0])
        cb_ref[...] = emb_masked
        cb_s[...] = cb0
        cn_s[...] = jnp.sum(cb0 * cb0, axis=0, keepdims=True)

    _, ind_row, diff = _tc_common(x_ref[...], cb_s[...], cn_s[...])
    ind_sc = ind_row + jnp.where(ind_row >= N_EMBED - POS_EMBED, N_EMBED, 0)
    ind_ref[...] = ind_sc.reshape(1, 1, N_EMBED)
    eind_ref[...] = ind_row.reshape(1, 32, 32)
    diff_ref[...] = diff.reshape(1, 1, 1)


def _tc_stage_a(flat, embed, gate):
    grid = GRID // 2
    return pl.pallas_call(
        _tc_body_a,
        grid=(grid,),
        in_specs=[
            pl.BlockSpec((BLOCK, DIM), lambda b: (b, 0)),
            pl.BlockSpec((DIM, N_EMBED), lambda b: (0, 0)),
            pl.BlockSpec((1, 1), lambda b: (0, 0)),
        ],
        out_specs=[
            pl.BlockSpec((1, 1, N_EMBED), lambda b: (b, 0, 0)),
            pl.BlockSpec((1, 32, 32), lambda b: (b, 0, 0)),
            pl.BlockSpec((1, 1, 1), lambda b: (b, 0, 0)),
            pl.BlockSpec((DIM, N_EMBED), lambda b: (0, 0)),
        ],
        out_shape=[
            jax.ShapeDtypeStruct((grid, 1, N_EMBED), jnp.int32),
            jax.ShapeDtypeStruct((GRID, 32, 32), jnp.int32),
            jax.ShapeDtypeStruct((GRID, 1, 1), jnp.float32),
            jax.ShapeDtypeStruct((DIM, N_EMBED), jnp.float32),
        ],
        scratch_shapes=[
            pltpu.VMEM((DIM, N_EMBED), jnp.float32),
            pltpu.VMEM((1, N_EMBED), jnp.float32),
        ],
    )(flat, embed, gate)


def _tc_body_b(x_ref, emb_ref, gate_ref, ea_ref, da_ref, eind_ref, diff_ref,
               q_ref, cb_s, cn_s, hl_s):
    del ea_ref, da_ref
    b = pl.program_id(0)

    @pl.when(b == 0)
    def _():
        _, cb0 = _make_cb(emb_ref[...], gate_ref[0, 0])
        cb_s[...] = cb0
        cn_s[...] = jnp.sum(cb0 * cb0, axis=0, keepdims=True)
        cb_hi = cb0.astype(jnp.bfloat16).astype(jnp.float32)
        hl_s[...] = jnp.concatenate([cb_hi, cb0 - cb_hi], axis=0)

    onehot, ind_row, diff = _tc_common(x_ref[...], cb_s[...], cn_s[...])
    eind_ref[...] = ind_row.reshape(1, 32, 32)
    diff_ref[...] = diff.reshape(1, 1, 1)
    nt = (((1,), (1,)), ((), ()))
    hl = hl_s[...]
    q2 = lax.dot_general(onehot, hl, nt,
                         preferred_element_type=jnp.float32)
    q_ref[...] = (lax.slice(q2, (0, 0), (BLOCK, DIM))
                  + lax.slice(q2, (0, DIM), (BLOCK, 2 * DIM)))


def _tc_stage_b(flat, embed, gate, eind_a, diff_a):
    grid = GRID // 2
    base = GRID // 2
    return pl.pallas_call(
        _tc_body_b,
        grid=(grid,),
        in_specs=[
            pl.BlockSpec((BLOCK, DIM), lambda b: (b + base, 0)),
            pl.BlockSpec((DIM, N_EMBED), lambda b: (0, 0)),
            pl.BlockSpec((1, 1), lambda b: (0, 0)),
            pl.BlockSpec(memory_space=pl.ANY),
            pl.BlockSpec(memory_space=pl.ANY),
        ],
        out_specs=[
            pl.BlockSpec((1, 32, 32), lambda b: (b + base, 0, 0)),
            pl.BlockSpec((1, 1, 1), lambda b: (b + base, 0, 0)),
            pl.BlockSpec((BLOCK, DIM), lambda b: (b, 0)),
        ],
        out_shape=[
            jax.ShapeDtypeStruct((GRID, 32, 32), jnp.int32),
            jax.ShapeDtypeStruct((GRID, 1, 1), jnp.float32),
            jax.ShapeDtypeStruct((grid * BLOCK, DIM), jnp.float32),
        ],
        scratch_shapes=[
            pltpu.VMEM((DIM, N_EMBED), jnp.float32),
            pltpu.VMEM((1, N_EMBED), jnp.float32),
            pltpu.VMEM((2 * DIM, N_EMBED), jnp.float32),
        ],
        input_output_aliases={3: 0, 4: 1},
    )(flat, embed, gate, eind_a, diff_a)


_CHUNK = 128


def _sc_gather(table, idx2d, ntok):
    W = table.shape[1]
    info = plsc.get_sparse_core_info()
    _NC, _NS = info.num_cores, info.num_subcores
    _NW = _NC * _NS
    _BPW = ntok // _NW
    _NCHUNK = _BPW // _CHUNK
    mesh = plsc.VectorSubcoreMesh(core_axis_name="c", subcore_axis_name="s")

    @functools.partial(
        pl.kernel,
        mesh=mesh,
        compiler_params=pltpu.CompilerParams(use_tc_tiling_on_sc=False),
        out_type=jax.ShapeDtypeStruct((ntok, W), jnp.float32),
        scratch_types=[
            pltpu.VMEM((_NCHUNK, _CHUNK), jnp.int32),
            pltpu.VMEM((_BPW, W), jnp.float32),
            pltpu.SemaphoreType.DMA,
            pltpu.SemaphoreType.DMA,
        ],
    )
    def k(table_hbm, idx_hbm, out_hbm, idx_v, rows_v, gsem, wsem):
        wid = lax.axis_index("s") * _NC + lax.axis_index("c")
        pltpu.sync_copy(idx_hbm.at[pl.ds(wid * _NCHUNK, _NCHUNK), :], idx_v)
        gathers = [
            pltpu.async_copy(
                table_hbm.at[idx_v.at[j]],
                rows_v.at[pl.ds(j * _CHUNK, _CHUNK), :],
                gsem,
            )
            for j in range(_NCHUNK)
        ]
        writes = []
        for j in range(_NCHUNK):
            gathers[j].wait()
            writes.append(pltpu.async_copy(
                rows_v.at[pl.ds(j * _CHUNK, _CHUNK), :],
                out_hbm.at[pl.ds(wid * _BPW + j * _CHUNK, _CHUNK), :],
                wsem,
            ))
        for w in writes:
            w.wait()

    return k(table, idx2d)


def kernel(input, embed, bi):
    gate = (jnp.asarray(bi) == 1).astype(jnp.float32).reshape(1, 1)
    et = embed.T * gate[0, 0]
    dmask = (jnp.arange(DIM) < DIM - POS_DIM).astype(jnp.float32)[None, :]
    zeros = jnp.zeros((2 * N_EMBED, DIM), jnp.float32)
    table = jnp.concatenate(
        [jnp.concatenate([et * dmask, et * (1.0 - dmask)], axis=0), zeros],
        axis=1)
    flat = input.reshape(TOKENS, DIM)
    htok = TOKENS // 2
    inda, ea, da, cb = _tc_stage_a(flat, embed, gate)
    qa = _sc_gather(table, inda.reshape(htok // _CHUNK, _CHUNK), htok)
    embed_ind, diff, qb = _tc_stage_b(flat, embed, gate, ea, da)
    quantize = jnp.concatenate([qa[:, :DIM], qb], axis=0).reshape(input.shape)
    return quantize, diff.reshape(GRID), embed_ind, cb

# --- scband reference (transcript-rebuilt; emitter-appended) ---
"""Pipeline reference for scband-quantize-bi-11905649344702 (READ-ONLY COPY).

The authoritative reference and input builder live on the scoring server;
editing this copy changes nothing except your own understanding.
"""

import jax, jax.numpy as jnp
import numpy as np

DIM = 64
N_EMBED = 1024
POS_DIM = 16
POS_EMBED = 128


def _make_mask():
    m = np.ones((DIM, N_EMBED), dtype=np.float32)
    m[DIM - POS_DIM:DIM, :N_EMBED - POS_EMBED] = 0.0
    m[:DIM - POS_DIM, N_EMBED - POS_EMBED:N_EMBED] = 0.0
    m[DIM - POS_DIM:DIM, N_EMBED - POS_EMBED:N_EMBED] = 1.0
    return jnp.asarray(m)


def setup_inputs(seed: int = 0):
    key = jax.random.key(seed)
    k1, k2 = jax.random.split(key)
    inp = jax.random.normal(k1, (16, 32, 32, DIM), dtype=jnp.float32)
    embed = jax.random.normal(k2, (DIM, N_EMBED), dtype=jnp.float32)
    return {"input": inp, "embed": embed, "bi": 1}


def reference(input, embed, bi):
    mask = _make_mask()
    embed = embed * mask
    flatten = input.reshape(-1, DIM)
    cb = jnp.where(bi == 1, embed, jnp.zeros_like(embed))
    dist = (
        jnp.sum(flatten ** 2, axis=1, keepdims=True)
        - 2.0 * (flatten @ cb)
        + jnp.sum(cb ** 2, axis=0, keepdims=True)
    )
    embed_ind = jnp.argmax(-dist, axis=1)
    embed_ind = embed_ind.reshape(input.shape[:-1])
    # F.embedding(embed_ind, cb.T)
    quantize = jnp.take(cb.T, embed_ind, axis=0)
    diff = jnp.mean((jax.lax.stop_gradient(quantize) - input) ** 2, axis=(1, 2, 3))
    quantize = input + jax.lax.stop_gradient(quantize - input)
    return quantize, diff, embed_ind, embed

if __name__ == "__main__":
    import jax
    _d = setup_inputs()
    print(jax.jit(kernel)(*tuple(_d.values())))

</pallas_src>

<mosaic_0001>
#map = affine_map<(d0, d1) -> (0, 0)>
module attributes {stable_mosaic.version = 14 : i64} {
  func.func @k(%arg0: i32, %arg1: i32, %arg2: memref<2048x128xf32, #tpu.memory_space<hbm>>, %arg3: memref<64x128xi32, #tpu.memory_space<hbm>>, %arg4: memref<8192x128xf32, #tpu.memory_space<hbm>>, %arg5: memref<2x128xi32, #tpu.memory_space<vmem>>, %arg6: memref<256x128xf32, #tpu.memory_space<vmem>>, %arg7: memref<!tpu.dma_semaphore, #tpu.memory_space<semaphore_mem>>, %arg8: memref<!tpu.dma_semaphore, #tpu.memory_space<semaphore_mem>>) attributes {dimension_semantics = [#tpu.dimension_semantics<core_parallel>, #tpu.dimension_semantics<subcore_parallel>], iteration_bounds = array<i64: 2, 16>, scalar_prefetch = 0 : i64, scratch_operands = 4 : i64, tpu.core_type = #tpu.core_type<sc_vector_subcore>, window_params = [{transform_indices = #map}, {transform_indices = #map}, {transform_indices = #map}]} {
    %mul3A = arith.constant 2 : i32
    %mul3A_0 = arith.muli %arg1, %mul3A : i32
    %add3A = arith.addi %mul3A_0, %arg0 : i32
    %mul3A_1 = arith.constant 2 : i32
    %mul3A_2 = arith.muli %add3A, %mul3A_1 : i32
    "tpu.region"() ({
      %run_scoped3A = tpu.sem_alloc : memref<!tpu.dma_semaphore, #tpu.memory_space<semaphore_mem>>
      %dma_start3A_89 = arith.constant 0 : i32
      %dma_start3A_90 = tpu.memref_slice %arg3[%mul3A_2, %dma_start3A_89] : memref<64x128xi32, #tpu.memory_space<hbm>> -> memref<2x128xi32, #tpu.memory_space<hbm>>
      %dma_start3A_91 = arith.constant 0 : i32
      %dma_start3A_92 = tpu.memref_slice %arg3[%mul3A_2, %dma_start3A_91] : memref<64x128xi32, #tpu.memory_space<hbm>> -> memref<2x128xi32, #tpu.memory_space<hbm>>
      tpu.enqueue_dma source(%dma_start3A_92 : memref<2x128xi32, #tpu.memory_space<hbm>>) target(%arg5 : memref<2x128xi32, #tpu.memory_space<vmem>>) target_semaphore(%run_scoped3A : memref<!tpu.dma_semaphore, #tpu.memory_space<semaphore_mem>>)
      %dma_wait3A_93 = arith.constant 0 : i32
      %dma_wait3A_94 = tpu.memref_slice %arg3[%mul3A_2, %dma_wait3A_93] : memref<64x128xi32, #tpu.memory_space<hbm>> -> memref<2x128xi32, #tpu.memory_space<hbm>>
      %dma_wait3A_95 = arith.constant 0 : i32
      %dma_wait3A_96 = tpu.memref_slice %arg3[%mul3A_2, %dma_wait3A_95] : memref<64x128xi32, #tpu.memory_space<hbm>> -> memref<2x128xi32, #tpu.memory_space<hbm>>
      tpu.wait_dma2 semaphore(%run_scoped3A : memref<!tpu.dma_semaphore, #tpu.memory_space<semaphore_mem>>) src(%dma_wait3A_96 : memref<2x128xi32, #tpu.memory_space<hbm>>) dst(%arg5 : memref<2x128xi32, #tpu.memory_space<vmem>>)
      tpu.yield
    }) : () -> ()
    %dma_start3A = arith.constant 0 : i32
    %dma_start3A_3 = arith.constant 0 : i32
    %dma_start3A_4 = arith.constant 0 : i32
    %dma_start3A_5 = tpu.memref_slice %arg6[%dma_start3A_3, %dma_start3A_4] : memref<256x128xf32, #tpu.memory_space<vmem>> -> memref<128x128xf32, #tpu.memory_space<vmem>>
    %dma_start3A_6 = arith.constant 0 : i32
    %dma_start3A_7 = tpu.memref_slice %arg5[%dma_start3A, %dma_start3A_6] : memref<2x128xi32, #tpu.memory_space<vmem>> -> memref<1x128xi32, #tpu.memory_space<vmem>>
    %dma_start3A_8 = tpu.memref_squeeze %dma_start3A_7 : memref<1x128xi32, #tpu.memory_space<vmem>> -> memref<128xi32, #tpu.memory_space<vmem>>
    %dma_start3A_9 = arith.constant 0 : i32
    %dma_start3A_10 = arith.constant 0 : i32
    %dma_start3A_11 = tpu.memref_slice %arg2[%dma_start3A_9, %dma_start3A_10] : memref<2048x128xf32, #tpu.memory_space<hbm>> -> memref<2048x128xf32, #tpu.memory_space<hbm>>
    tpu.enqueue_indirect_dma source(%dma_start3A_11 : memref<2048x128xf32, #tpu.memory_space<hbm>>) target(%dma_start3A_5 : memref<128x128xf32, #tpu.memory_space<vmem>>) offsets(%dma_start3A_8 : memref<128xi32, #tpu.memory_space<vmem>>) semaphore(%arg7 : memref<!tpu.dma_semaphore, #tpu.memory_space<semaphore_mem>>)
    %dma_start3A_12 = arith.constant 1 : i32
    %dma_start3A_13 = arith.constant 128 : i32
    %dma_start3A_14 = arith.constant 0 : i32
    %dma_start3A_15 = tpu.memref_slice %arg6[%dma_start3A_13, %dma_start3A_14] : memref<256x128xf32, #tpu.memory_space<vmem>> -> memref<128x128xf32, #tpu.memory_space<vmem>>
    %dma_start3A_16 = arith.constant 0 : i32
    %dma_start3A_17 = tpu.memref_slice %arg5[%dma_start3A_12, %dma_start3A_16] : memref<2x128xi32, #tpu.memory_space<vmem>> -> memref<1x128xi32, #tpu.memory_space<vmem>>
    %dma_start3A_18 = tpu.memref_squeeze %dma_start3A_17 : memref<1x128xi32, #tpu.memory_space<vmem>> -> memref<128xi32, #tpu.memory_space<vmem>>
    %dma_start3A_19 = arith.constant 0 : i32
    %dma_start3A_20 = arith.constant 0 : i32
    %dma_start3A_21 = tpu.memref_slice %arg2[%dma_start3A_19, %dma_start3A_20] : memref<2048x128xf32, #tpu.memory_space<hbm>> -> memref<2048x128xf32, #tpu.memory_space<hbm>>
    tpu.enqueue_indirect_dma source(%dma_start3A_21 : memref<2048x128xf32, #tpu.memory_space<hbm>>) target(%dma_start3A_15 : memref<128x128xf32, #tpu.memory_space<vmem>>) offsets(%dma_start3A_18 : memref<128xi32, #tpu.memory_space<vmem>>) semaphore(%arg7 : memref<!tpu.dma_semaphore, #tpu.memory_space<semaphore_mem>>)
    %dma_wait3A = arith.constant 0 : i32
    %dma_wait3A_22 = arith.constant 0 : i32
    %dma_wait3A_23 = arith.constant 0 : i32
    %dma_wait3A_24 = tpu.memref_slice %arg6[%dma_wait3A_22, %dma_wait3A_23] : memref<256x128xf32, #tpu.memory_space<vmem>> -> memref<128x128xf32, #tpu.memory_space<vmem>>
    %dma_wait3A_25 = arith.constant 0 : i32
    %dma_wait3A_26 = tpu.memref_slice %arg5[%dma_wait3A, %dma_wait3A_25] : memref<2x128xi32, #tpu.memory_space<vmem>> -> memref<1x128xi32, #tpu.memory_space<vmem>>
    %dma_wait3A_27 = tpu.memref_squeeze %dma_wait3A_26 : memref<1x128xi32, #tpu.memory_space<vmem>> -> memref<128xi32, #tpu.memory_space<vmem>>
    %dma_wait3A_28 = arith.constant 0 : i32
    %dma_wait3A_29 = arith.constant 0 : i32
    %dma_wait3A_30 = tpu.memref_slice %arg2[%dma_wait3A_28, %dma_wait3A_29] : memref<2048x128xf32, #tpu.memory_space<hbm>> -> memref<2048x128xf32, #tpu.memory_space<hbm>>
    tpu.wait_indirect_dma semaphore(%arg7 : memref<!tpu.dma_semaphore, #tpu.memory_space<semaphore_mem>>) src(%dma_wait3A_30 : memref<2048x128xf32, #tpu.memory_space<hbm>>) dst(%dma_wait3A_24 : memref<128x128xf32, #tpu.memory_space<vmem>>)
    %mul3A_31 = arith.constant 256 : i32
    %mul3A_32 = arith.muli %add3A, %mul3A_31 : i32
    %add3A_33 = arith.constant 0 : i32
    %add3A_34 = arith.addi %mul3A_32, %add3A_33 : i32
    %dma_start3A_35 = arith.constant 0 : i32
    %dma_start3A_36 = arith.constant 0 : i32
    %dma_start3A_37 = tpu.memref_slice %arg6[%dma_start3A_35, %dma_start3A_36] : memref<256x128xf32, #tpu.memory_space<vmem>> -> memref<128x128xf32, #tpu.memory_space<vmem>>
    %dma_start3A_38 = arith.constant 0 : i32
    %dma_start3A_39 = tpu.memref_slice %arg4[%add3A_34, %dma_start3A_38] : memref<8192x128xf32, #tpu.memory_space<hbm>> -> memref<128x128xf32, #tpu.memory_space<hbm>>
    %dma_start3A_40 = arith.constant 0 : i32
    %dma_start3A_41 = tpu.memref_slice %arg4[%add3A_34, %dma_start3A_40] : memref<8192x128xf32, #tpu.memory_space<hbm>> -> memref<128x128xf32, #tpu.memory_space<hbm>>
    %dma_start3A_42 = arith.constant 0 : i32
    %dma_start3A_43 = arith.constant 0 : i32
    %dma_start3A_44 = tpu.memref_slice %arg6[%dma_start3A_42, %dma_start3A_43] : memref<256x128xf32, #tpu.memory_space<vmem>> -> memref<128x128xf32, #tpu.memory_space<vmem>>
    tpu.enqueue_dma source(%dma_start3A_44 : memref<128x128xf32, #tpu.memory_space<vmem>>) target(%dma_start3A_41 : memref<128x128xf32, #tpu.memory_space<hbm>>) target_semaphore(%arg8 : memref<!tpu.dma_semaphore, #tpu.memory_space<semaphore_mem>>)
    %dma_wait3A_45 = arith.constant 1 : i32
    %dma_wait3A_46 = arith.constant 128 : i32
    %dma_wait3A_47 = arith.constant 0 : i32
    %dma_wait3A_48 = tpu.memref_slice %arg6[%dma_wait3A_46, %dma_wait3A_47] : memref<256x128xf32, #tpu.memory_space<vmem>> -> memref<128x128xf32, #tpu.memory_space<vmem>>
    %dma_wait3A_49 = arith.constant 0 : i32
    %dma_wait3A_50 = tpu.memref_slice %arg5[%dma_wait3A_45, %dma_wait3A_49] : memref<2x128xi32, #tpu.memory_space<vmem>> -> memref<1x128xi32, #tpu.memory_space<vmem>>
    %dma_wait3A_51 = tpu.memref_squeeze %dma_wait3A_50 : memref<1x128xi32, #tpu.memory_space<vmem>> -> memref<128xi32, #tpu.memory_space<vmem>>
    %dma_wait3A_52 = arith.constant 0 : i32
    %dma_wait3A_53 = arith.constant 0 : i32
    %dma_wait3A_54 = tpu.memref_slice %arg2[%dma_wait3A_52, %dma_wait3A_53] : memref<2048x128xf32, #tpu.memory_space<hbm>> -> memref<2048x128xf32, #tpu.memory_space<hbm>>
    tpu.wait_indirect_dma semaphore(%arg7 : memref<!tpu.dma_semaphore, #tpu.memory_space<semaphore_mem>>) src(%dma_wait3A_54 : memref<2048x128xf32, #tpu.memory_space<hbm>>) dst(%dma_wait3A_48 : memref<128x128xf32, #tpu.memory_space<vmem>>)
    %mul3A_55 = arith.constant 256 : i32
    %mul3A_56 = arith.muli %add3A, %mul3A_55 : i32
    %add3A_57 = arith.constant 128 : i32
    %add3A_58 = arith.addi %mul3A_56, %add3A_57 : i32
    %dma_start3A_59 = arith.constant 128 : i32
    %dma_start3A_60 = arith.constant 0 : i32
    %dma_start3A_61 = tpu.memref_slice %arg6[%dma_start3A_59, %dma_start3A_60] : memref<256x128xf32, #tpu.memory_space<vmem>> -> memref<128x128xf32, #tpu.memory_space<vmem>>
    %dma_start3A_62 = arith.constant 0 : i32
    %dma_start3A_63 = tpu.memref_slice %arg4[%add3A_58, %dma_start3A_62] : memref<8192x128xf32, #tpu.memory_space<hbm>> -> memref<128x128xf32, #tpu.memory_space<hbm>>
    %dma_start3A_64 = arith.constant 0 : i32
    %dma_start3A_65 = tpu.memref_slice %arg4[%add3A_58, %dma_start3A_64] : memref<8192x128xf32, #tpu.memory_space<hbm>> -> memref<128x128xf32, #tpu.memory_space<hbm>>
    %dma_start3A_66 = arith.constant 128 : i32
    %dma_start3A_67 = arith.constant 0 : i32
    %dma_start3A_68 = tpu.memref_slice %arg6[%dma_start3A_66, %dma_start3A_67] : memref<256x128xf32, #tpu.memory_space<vmem>> -> memref<128x128xf32, #tpu.memory_space<vmem>>
    tpu.enqueue_dma source(%dma_start3A_68 : memref<128x128xf32, #tpu.memory_space<vmem>>) target(%dma_start3A_65 : memref<128x128xf32, #tpu.memory_space<hbm>>) target_semaphore(%arg8 : memref<!tpu.dma_semaphore, #tpu.memory_space<semaphore_mem>>)
    %dma_wait3A_69 = arith.constant 0 : i32
    %dma_wait3A_70 = arith.constant 0 : i32
    %dma_wait3A_71 = tpu.memref_slice %arg6[%dma_wait3A_69, %dma_wait3A_70] : memref<256x128xf32, #tpu.memory_space<vmem>> -> memref<128x128xf32, #tpu.memory_space<vmem>>
    %dma_wait3A_72 = arith.constant 0 : i32
    %dma_wait3A_73 = tpu.memref_slice %arg4[%add3A_34, %dma_wait3A_72] : memref<8192x128xf32, #tpu.memory_space<hbm>> -> memref<128x128xf32, #tpu.memory_space<hbm>>
    %dma_wait3A_74 = arith.constant 0 : i32
    %dma_wait3A_75 = tpu.memref_slice %arg4[%add3A_34, %dma_wait3A_74] : memref<8192x128xf32, #tpu.memory_space<hbm>> -> memref<128x128xf32, #tpu.memory_space<hbm>>
    %dma_wait3A_76 = arith.constant 0 : i32
    %dma_wait3A_77 = arith.constant 0 : i32
    %dma_wait3A_78 = tpu.memref_slice %arg6[%dma_wait3A_76, %dma_wait3A_77] : memref<256x128xf32, #tpu.memory_space<vmem>> -> memref<128x128xf32, #tpu.memory_space<vmem>>
    tpu.wait_dma2 semaphore(%arg8 : memref<!tpu.dma_semaphore, #tpu.memory_space<semaphore_mem>>) src(%dma_wait3A_78 : memref<128x128xf32, #tpu.memory_space<vmem>>) dst(%dma_wait3A_75 : memref<128x128xf32, #tpu.memory_space<hbm>>)
    %dma_wait3A_79 = arith.constant 128 : i32
    %dma_wait3A_80 = arith.constant 0 : i32
    %dma_wait3A_81 = tpu.memref_slice %arg6[%dma_wait3A_79, %dma_wait3A_80] : memref<256x128xf32, #tpu.memory_space<vmem>> -> memref<128x128xf32, #tpu.memory_space<vmem>>
    %dma_wait3A_82 = arith.constant 0 : i32
    %dma_wait3A_83 = tpu.memref_slice %arg4[%add3A_58, %dma_wait3A_82] : memref<8192x128xf32, #tpu.memory_space<hbm>> -> memref<128x128xf32, #tpu.memory_space<hbm>>
    %dma_wait3A_84 = arith.constant 0 : i32
    %dma_wait3A_85 = tpu.memref_slice %arg4[%add3A_58, %dma_wait3A_84] : memref<8192x128xf32, #tpu.memory_space<hbm>> -> memref<128x128xf32, #tpu.memory_space<hbm>>
    %dma_wait3A_86 = arith.constant 128 : i32
    %dma_wait3A_87 = arith.constant 0 : i32
    %dma_wait3A_88 = tpu.memref_slice %arg6[%dma_wait3A_86, %dma_wait3A_87] : memref<256x128xf32, #tpu.memory_space<vmem>> -> memref<128x128xf32, #tpu.memory_space<vmem>>
    tpu.wait_dma2 semaphore(%arg8 : memref<!tpu.dma_semaphore, #tpu.memory_space<semaphore_mem>>) src(%dma_wait3A_88 : memref<128x128xf32, #tpu.memory_space<vmem>>) dst(%dma_wait3A_85 : memref<128x128xf32, #tpu.memory_space<hbm>>)
    return
  }
}

module attributes {stable_mosaic.version = 14 : i64} {
  func.func @_tc_body_a(%arg0: i32, %arg1: memref<1024x64xf32, #tpu.memory_space<vmem>>, %arg2: memref<64x1024xf32, #tpu.memory_space<vmem>>, %arg3: memref<1x1xf32, #tpu.memory_space<vmem>>, %arg4: memref<1x1x1024xi32, #tpu.memory_space<vmem>>, %arg5: memref<1x32x32xi32, #tpu.memory_space<vmem>>, %arg6: memref<1x1x1xf32, #tpu.memory_space<vmem>>, %arg7: memref<64x1024xf32, #tpu.memory_space<vmem>>, %arg8: memref<64x1024xf32, #tpu.memory_space<vmem>>, %arg9: memref<1x1024xf32, #tpu.memory_space<vmem>>) attributes {dimension_semantics = [#tpu.dimension_semantics<arbitrary>], iteration_bounds = array<i64: 8>, scalar_prefetch = 0 : i64, scratch_operands = 2 : i64, tpu.core_type = #tpu.core_type<tc>, window_params = [{transform_indices = @transform_0, window_bounds = array<i64: 1024, 64>}, {pipeline_mode = #tpu.pipeline_mode<synchronous>, transform_indices = @transform_1, window_bounds = array<i64: 64, 1024>}, {pipeline_mode = #tpu.pipeline_mode<synchronous>, transform_indices = @transform_2, window_bounds = array<i64: 1, 1>}, {transform_indices = @transform_3, window_bounds = array<i64: 1, 1, 1024>}, {transform_indices = @transform_4, window_bounds = array<i64: 1, 32, 32>}, {transform_indices = @transform_5, window_bounds = array<i64: 1, 1, 1>}, {pipeline_mode = #tpu.pipeline_mode<synchronous>, transform_indices = @transform_6, window_bounds = array<i64: 64, 1024>}]} {
    %eq3A = arith.constant 0 : i32
    %eq3A_0 = arith.cmpi eq, %arg0, %eq3A : i32
    %convert_element_type3A = arith.extui %eq3A_0 : i1 to i32
    %cond3A = arith.constant 0 : i32
    %cond3A_1 = arith.cmpi ne, %convert_element_type3A, %cond3A : i32
    scf.if %cond3A_1 {
      %get3A_115 = arith.constant 0 : index
      %get3A_116 = arith.constant 0 : index
      %get3A_117 = vector.load %arg2[%get3A_115, %get3A_116] : memref<64x1024xf32, #tpu.memory_space<vmem>>, vector<64x1024xf32>
      %get3A_118 = arith.constant 0 : index
      %get3A_119 = arith.constant 0 : index
      %get3A_120 = vector.load %arg3[%get3A_118, %get3A_119] : memref<1x1xf32, #tpu.memory_space<vmem>>, vector<1x1xf32>
      %get3A_121 = vector.extract %get3A_120[0, 0] : f32 from vector<1x1xf32>
      %iota3A_122 = tpu.iota {dimensions = array<i32: 0>} : vector<64x1024xi32>
      %iota3A_123 = tpu.iota {dimensions = array<i32: 1>} : vector<64x1024xi32>
      %lt3A_124 = arith.constant 48 : i32
      %lt3A_125 = vector.broadcast %lt3A_124 : i32 to vector<64x1024xi32>
      %lt3A_126 = arith.cmpi slt, %iota3A_122, %lt3A_125 : vector<64x1024xi32>
      %lt3A_127 = arith.constant 896 : i32
      %lt3A_128 = vector.broadcast %lt3A_127 : i32 to vector<64x1024xi32>
      %lt3A_129 = arith.cmpi slt, %iota3A_123, %lt3A_128 : vector<64x1024xi32>
      %eq3A_130 = arith.xori %lt3A_126, %lt3A_129 : vector<64x1024xi1>
      %eq3A_131 = arith.constant dense<true> : vector<64x1024xi1>
      %eq3A_132 = arith.xori %eq3A_130, %eq3A_131 : vector<64x1024xi1>
      %convert_element_type3A_133 = arith.extui %eq3A_132 : vector<64x1024xi1> to vector<64x1024xi32>
      %convert_element_type3A_134 = arith.sitofp %convert_element_type3A_133 : vector<64x1024xi32> to vector<64x1024xf32>
      %mul3A_135 = arith.mulf %get3A_117, %convert_element_type3A_134 : vector<64x1024xf32>
      %mul3A_136 = vector.broadcast %get3A_121 : f32 to vector<64x1024xf32>
      %mul3A_137 = arith.mulf %mul3A_135, %mul3A_136 : vector<64x1024xf32>
      %swap3A_138 = arith.constant 0 : index
      %swap3A_139 = arith.constant 0 : index
      %swap3A_140 = vector.load %arg7[%swap3A_138, %swap3A_139] : memref<64x1024xf32, #tpu.memory_space<vmem>>, vector<64x1024xf32>
      tpu.vector_store %arg7[%swap3A_138, %swap3A_139], %mul3A_135 {strides = array<i32>} : memref<64x1024xf32, #tpu.memory_space<vmem>>, vector<64x1024xf32>,
      %swap3A_141 = arith.constant 0 : index
      %swap3A_142 = arith.constant 0 : index
      %swap3A_143 = vector.load %arg8[%swap3A_141, %swap3A_142] : memref<64x1024xf32, #tpu.memory_space<vmem>>, vector<64x1024xf32>
      tpu.vector_store %arg8[%swap3A_141, %swap3A_142], %mul3A_137 {strides = array<i32>} : memref<64x1024xf32, #tpu.memory_space<vmem>>, vector<64x1024xf32>,
      %mul3A_144 = arith.mulf %mul3A_137, %mul3A_137 : vector<64x1024xf32>
      %reduce_sum3A_145 = arith.constant dense<0.000000e+00> : vector<1024xf32>
      %reduce_sum3A_146 = vector.multi_reduction <add>, %mul3A_144, %reduce_sum3A_145 [0] : vector<64x1024xf32> to vector<1024xf32>
      %broadcast_in_dim3A_147 = vector.shape_cast %reduce_sum3A_146 : vector<1024xf32> to vector<1x1024xf32>
      %swap3A_148 = arith.constant 0 : index
      %swap3A_149 = arith.constant 0 : index
      %swap3A_150 = vector.load %arg9[%swap3A_148, %swap3A_149] : memref<1x1024xf32, #tpu.memory_space<vmem>>, vector<1x1024xf32>
      tpu.vector_store %arg9[%swap3A_148, %swap3A_149], %broadcast_in_dim3A_147 {strides = array<i32>} : memref<1x1024xf32, #tpu.memory_space<vmem>>, vector<1x1024xf32>,
    } else {
    }
    %get3A = arith.constant 0 : index
    %get3A_2 = arith.constant 0 : index
    %get3A_3 = vector.load %arg1[%get3A, %get3A_2] : memref<1024x64xf32, #tpu.memory_space<vmem>>, vector<1024x64xf32>
    %get3A_4 = arith.constant 0 : index
    %get3A_5 = arith.constant 0 : index
    %get3A_6 = vector.load %arg8[%get3A_4, %get3A_5] : memref<64x1024xf32, #tpu.memory_space<vmem>>, vector<64x1024xf32>
    %get3A_7 = arith.constant 0 : index
    %get3A_8 = arith.constant 0 : index
    %get3A_9 = vector.load %arg9[%get3A_7, %get3A_8] : memref<1x1024xf32, #tpu.memory_space<vmem>>, vector<1x1024xf32>
    %dot_general3A = arith.constant dense<0.000000e+00> : vector<1024x1024xf32>
    %dot_general3A_10 = tpu.matmul %get3A_3, %get3A_6, %dot_general3A {dimension_numbers = #tpu.dot_dimension_numbers<[1], [0], [0], [1], [0, 0, 1, 1], [], []>, transpose_lhs_hint = false} : vector<1024x64xf32>, vector<64x1024xf32>, vector<1024x1024xf32> -> vector<1024x1024xf32>
    %mul3A = arith.constant 2.000000e+00 : f32
    %mul3A_11 = vector.broadcast %mul3A : f32 to vector<1024x1024xf32>
    %mul3A_12 = arith.mulf %mul3A_11, %dot_general3A_10 : vector<1024x1024xf32>
    %sub3A = vector.broadcast %get3A_9 : vector<1x1024xf32> to vector<1024x1024xf32>
    %sub3A_13 = arith.subf %sub3A, %mul3A_12 : vector<1024x1024xf32>
    %reduce_min3A = arith.constant dense<0x7F800000> : vector<1024xf32>
    %reduce_min3A_14 = vector.multi_reduction <minimumf>, %sub3A_13, %reduce_min3A [1] : vector<1024x1024xf32> to vector<1024xf32>
    %broadcast_in_dim3A = vector.shape_cast %reduce_min3A_14 : vector<1024xf32> to vector<1024x1xf32>
    %le3A = vector.broadcast %broadcast_in_dim3A : vector<1024x1xf32> to vector<1024x1024xf32>
    %le3A_15 = arith.cmpf ole, %sub3A_13, %le3A : vector<1024x1024xf32>
    %convert_element_type3A_16 = arith.extui %le3A_15 : vector<1024x1024xi1> to vector<1024x1024xi32>
    %convert_element_type3A_17 = arith.sitofp %convert_element_type3A_16 : vector<1024x1024xi32> to vector<1024x1024xf32>
    %iota3A = tpu.iota {dimensions = array<i32: 0>} : vector<2x1024xi32>
    %iota3A_18 = tpu.iota {dimensions = array<i32: 1>} : vector<2x1024xi32>
    %eq3A_19 = arith.constant 0 : i32
    %eq3A_20 = vector.broadcast %eq3A_19 : i32 to vector<2x1024xi32>
    %eq3A_21 = arith.cmpi eq, %iota3A, %eq3A_20 : vector<2x1024xi32>
    %jit3A = arith.constant 8 : i32
    %div3A = vector.broadcast %jit3A : i32 to vector<2x1024xi32>
    %div3A_22 = arith.divsi %iota3A_18, %div3A : vector<2x1024xi32>
    %sign3A = arith.constant 0 : i32
    %sign3A_23 = vector.broadcast %sign3A : i32 to vector<2x1024xi32>
    %sign3A_24 = arith.cmpi sgt, %iota3A_18, %sign3A_23 : vector<2x1024xi32>
    %sign3A_25 = arith.extui %sign3A_24 : vector<2x1024xi1> to vector<2x1024xi32>
    %sign3A_26 = arith.constant 0 : i32
    %sign3A_27 = vector.broadcast %sign3A_26 : i32 to vector<2x1024xi32>
    %sign3A_28 = arith.cmpi slt, %iota3A_18, %sign3A_27 : vector<2x1024xi32>
    %sign3A_29 = arith.extui %sign3A_28 : vector<2x1024xi1> to vector<2x1024xi32>
    %sign3A_30 = arith.subi %sign3A_25, %sign3A_29 : vector<2x1024xi32>
    %sign3A_31 = arith.constant 0 : i32
    %sign3A_32 = arith.cmpi sgt, %jit3A, %sign3A_31 : i32
    %sign3A_33 = arith.extui %sign3A_32 : i1 to i32
    %sign3A_34 = arith.constant 0 : i32
    %sign3A_35 = arith.cmpi slt, %jit3A, %sign3A_34 : i32
    %sign3A_36 = arith.extui %sign3A_35 : i1 to i32
    %sign3A_37 = arith.subi %sign3A_33, %sign3A_36 : i32
    %ne3A = vector.broadcast %sign3A_37 : i32 to vector<2x1024xi32>
    %ne3A_38 = arith.cmpi ne, %sign3A_30, %ne3A : vector<2x1024xi32>
    %rem3A = vector.broadcast %jit3A : i32 to vector<2x1024xi32>
    %rem3A_39 = arith.remsi %iota3A_18, %rem3A : vector<2x1024xi32>
    %ne3A_40 = arith.constant 0 : i32
    %ne3A_41 = vector.broadcast %ne3A_40 : i32 to vector<2x1024xi32>
    %ne3A_42 = arith.cmpi ne, %rem3A_39, %ne3A_41 : vector<2x1024xi32>
    %and3A = arith.andi %ne3A_38, %ne3A_42 : vector<2x1024xi1>
    %sub3A_43 = arith.constant 1 : i32
    %sub3A_44 = vector.broadcast %sub3A_43 : i32 to vector<2x1024xi32>
    %sub3A_45 = arith.subi %div3A_22, %sub3A_44 : vector<2x1024xi32>
    %select_n3A = arith.select %and3A, %sub3A_45, %div3A_22 : vector<2x1024xi1>, vector<2x1024xi32>
    %jit3A_46 = arith.constant 8 : i32
    %eq3A_47 = arith.constant 0 : i32
    %eq3A_48 = arith.cmpi eq, %jit3A_46, %eq3A_47 : i32
    %jit3A_49 = arith.constant 1 : i32
    %select_n3A_50 = arith.select %eq3A_48, %jit3A_49, %jit3A_46 : i32
    %rem3A_51 = vector.broadcast %select_n3A_50 : i32 to vector<2x1024xi32>
    %rem3A_52 = arith.remsi %iota3A_18, %rem3A_51 : vector<2x1024xi32>
    %ne3A_53 = arith.constant 0 : i32
    %ne3A_54 = vector.broadcast %ne3A_53 : i32 to vector<2x1024xi32>
    %ne3A_55 = arith.cmpi ne, %rem3A_52, %ne3A_54 : vector<2x1024xi32>
    %lt3A = arith.constant 0 : i32
    %lt3A_56 = vector.broadcast %lt3A : i32 to vector<2x1024xi32>
    %lt3A_57 = arith.cmpi slt, %rem3A_52, %lt3A_56 : vector<2x1024xi32>
    %lt3A_58 = arith.constant 0 : i32
    %lt3A_59 = arith.cmpi slt, %select_n3A_50, %lt3A_58 : i32
    %ne3A_60 = vector.broadcast %lt3A_59 : i1 to vector<2x1024xi1>
    %ne3A_61 = vector.broadcast %ne3A_60 : vector<2x1024xi1> to vector<2x1024xi1>
    %ne3A_62 = arith.xori %lt3A_57, %ne3A_61 : vector<2x1024xi1>
    %and3A_63 = arith.andi %ne3A_62, %ne3A_55 : vector<2x1024xi1>
    %add3A = vector.broadcast %select_n3A_50 : i32 to vector<2x1024xi32>
    %add3A_64 = arith.addi %rem3A_52, %add3A : vector<2x1024xi32>
    %select_n3A_65 = arith.select %and3A_63, %add3A_64, %rem3A_52 : vector<2x1024xi1>, vector<2x1024xi32>
    %select_n3A_66 = arith.select %eq3A_21, %select_n3A, %select_n3A_65 : vector<2x1024xi1>, vector<2x1024xi32>
    %convert_element_type3A_67 = arith.sitofp %select_n3A_66 : vector<2x1024xi32> to vector<2x1024xf32>
    %dot_general3A_68 = arith.constant dense<0.000000e+00> : vector<2x1024xf32>
    %dot_general3A_69 = tpu.matmul %convert_element_type3A_67, %convert_element_type3A_17, %dot_general3A_68 {dimension_numbers = #tpu.dot_dimension_numbers<[1], [1], [0], [0], [0, 0, 1, 0], [], []>, transpose_lhs_hint = false} : vector<2x1024xf32>, vector<1024x1024xf32>, vector<2x1024xf32> -> vector<2x1024xf32>
    %slice3A = vector.extract_strided_slice %dot_general3A_69 {offsets = [0, 0], sizes = [1, 1024], strides = [1, 1]} : vector<2x1024xf32> to vector<1x1024xf32>
    %mul3A_70 = arith.constant 8.000000e+00 : f32
    %mul3A_71 = vector.broadcast %mul3A_70 : f32 to vector<1x1024xf32>
    %mul3A_72 = arith.mulf %mul3A_71, %slice3A : vector<1x1024xf32>
    %slice3A_73 = vector.extract_strided_slice %dot_general3A_69 {offsets = [1, 0], sizes = [1, 1024], strides = [1, 1]} : vector<2x1024xf32> to vector<1x1024xf32>
    %add3A_74 = arith.addf %mul3A_72, %slice3A_73 : vector<1x1024xf32>
    %min3A = arith.constant 1.023000e+03 : f32
    %min3A_75 = vector.broadcast %min3A : f32 to vector<1x1024xf32>
    %min3A_76 = arith.minimumf %add3A_74, %min3A_75 : vector<1x1024xf32>
    %convert_element_type3A_77 = arith.fptosi %min3A_76 : vector<1x1024xf32> to vector<1x1024xi32>
    %mul3A_78 = arith.mulf %get3A_3, %get3A_3 : vector<1024x64xf32>
    %reduce_sum3A = arith.constant dense<0.000000e+00> : vector<1024xf32>
    %reduce_sum3A_79 = vector.multi_reduction <add>, %mul3A_78, %reduce_sum3A [1] : vector<1024x64xf32> to vector<1024xf32>
    %broadcast_in_dim3A_80 = vector.shape_cast %reduce_sum3A_79 : vector<1024xf32> to vector<1024x1xf32>
    %reduce_sum3A_81 = vector.shape_cast %broadcast_in_dim3A_80 : vector<1024x1xf32> to vector<1x1024x1xf32>
    %reduce_sum3A_82 = arith.constant dense<0.000000e+00> : vector<1xf32>
    %reduce_sum3A_83 = vector.multi_reduction <add>, %reduce_sum3A_81, %reduce_sum3A_82 [1, 2] : vector<1x1024x1xf32> to vector<1xf32>
    %reduce_sum3A_84 = vector.shape_cast %reduce_sum3A_83 : vector<1xf32> to vector<1x1x1xf32>
    %reduce_sum3A_85 = vector.extract %reduce_sum3A_84[0, 0, 0] : f32 from vector<1x1x1xf32>
    %reduce_sum3A_86 = vector.shape_cast %broadcast_in_dim3A : vector<1024x1xf32> to vector<1x1024x1xf32>
    %reduce_sum3A_87 = arith.constant dense<0.000000e+00> : vector<1xf32>
    %reduce_sum3A_88 = vector.multi_reduction <add>, %reduce_sum3A_86, %reduce_sum3A_87 [1, 2] : vector<1x1024x1xf32> to vector<1xf32>
    %reduce_sum3A_89 = vector.shape_cast %reduce_sum3A_88 : vector<1xf32> to vector<1x1x1xf32>
    %reduce_sum3A_90 = vector.extract %reduce_sum3A_89[0, 0, 0] : f32 from vector<1x1x1xf32>
    %add3A_91 = arith.addf %reduce_sum3A_85, %reduce_sum3A_90 : f32
    %div3A_92 = arith.constant 6.553600e+04 : f32
    %div3A_93 = arith.divf %add3A_91, %div3A_92 : f32
    %ge3A = arith.constant 896 : i32
    %ge3A_94 = vector.broadcast %ge3A : i32 to vector<1x1024xi32>
    %ge3A_95 = arith.cmpi sge, %convert_element_type3A_77, %ge3A_94 : vector<1x1024xi32>
    %jit3A_96 = arith.constant 1024 : i32
    %jit3A_97 = arith.constant 0 : i32
    %broadcast_in_dim3A_98 = vector.broadcast %jit3A_96 : i32 to vector<1x1024xi32>
    %broadcast_in_dim3A_99 = vector.broadcast %jit3A_97 : i32 to vector<1x1024xi32>
    %select_n3A_100 = arith.select %ge3A_95, %broadcast_in_dim3A_98, %broadcast_in_dim3A_99 : vector<1x1024xi1>, vector<1x1024xi32>
    %add3A_101 = arith.addi %convert_element_type3A_77, %select_n3A_100 : vector<1x1024xi32>
    %reshape3A = vector.shape_cast %add3A_101 : vector<1x1024xi32> to vector<1x1x1024xi32>
    %swap3A = arith.constant 0 : index
    %swap3A_102 = arith.constant 0 : index
    %swap3A_103 = arith.constant 0 : index
    %swap3A_104 = vector.load %arg4[%swap3A, %swap3A_102, %swap3A_103] : memref<1x1x1024xi32, #tpu.memory_space<vmem>>, vector<1x1x1024xi32>
    tpu.vector_store %arg4[%swap3A, %swap3A_102, %swap3A_103], %reshape3A {strides = array<i32>} : memref<1x1x1024xi32, #tpu.memory_space<vmem>>, vector<1x1x1024xi32>,
    %reshape3A_105 = vector.shape_cast %convert_element_type3A_77 : vector<1x1024xi32> to vector<1x32x32xi32>
    %swap3A_106 = arith.constant 0 : index
    %swap3A_107 = arith.constant 0 : index
    %swap3A_108 = arith.constant 0 : index
    %swap3A_109 = vector.load %arg5[%swap3A_106, %swap3A_107, %swap3A_108] : memref<1x32x32xi32, #tpu.memory_space<vmem>>, vector<1x32x32xi32>
    tpu.vector_store %arg5[%swap3A_106, %swap3A_107, %swap3A_108], %reshape3A_105 {strides = array<i32>} : memref<1x32x32xi32, #tpu.memory_space<vmem>>, vector<1x32x32xi32>,
    %reshape3A_110 = vector.broadcast %div3A_93 : f32 to vector<1x1x1xf32>
    %swap3A_111 = arith.constant 0 : index
    %swap3A_112 = arith.constant 0 : index
    %swap3A_113 = arith.constant 0 : index
    %swap3A_114 = vector.load %arg6[%swap3A_111, %swap3A_112, %swap3A_113] : memref<1x1x1xf32, #tpu.memory_space<vmem>>, vector<1x1x1xf32>
    tpu.vector_store %arg6[%swap3A_111, %swap3A_112, %swap3A_113], %reshape3A_110 {strides = array<i32>} : memref<1x1x1xf32, #tpu.memory_space<vmem>>, vector<1x1x1xf32>,
    return
  }
  func.func @transform_0(%arg0: i32) -> (i32, i32) {
    %c0_i32 = arith.constant 0 : i32
    %c0_i32_0 = arith.constant 0 : i32
    return %arg0, %c0_i32 : i32, i32
  }
  func.func @transform_1(%arg0: i32) -> (i32, i32) {
    %c0_i32 = arith.constant 0 : i32
    %c0_i32_0 = arith.constant 0 : i32
    %c0_i32_1 = arith.constant 0 : i32
    return %c0_i32, %c0_i32_0 : i32, i32
  }
  func.func @transform_2(%arg0: i32) -> (i32, i32) {
    %c0_i32 = arith.constant 0 : i32
    %c0_i32_0 = arith.constant 0 : i32
    %c0_i32_1 = arith.constant 0 : i32
    return %c0_i32, %c0_i32_0 : i32, i32
  }
  func.func @transform_3(%arg0: i32) -> (i32, i32, i32) {
    %c0_i32 = arith.constant 0 : i32
    %c0_i32_0 = arith.constant 0 : i32
    %c0_i32_1 = arith.constant 0 : i32
    return %arg0, %c0_i32, %c0_i32_0 : i32, i32, i32
  }
  func.func @transform_4(%arg0: i32) -> (i32, i32, i32) {
    %c0_i32 = arith.constant 0 : i32
    %c0_i32_0 = arith.constant 0 : i32
    %c0_i32_1 = arith.constant 0 : i32
    return %arg0, %c0_i32, %c0_i32_0 : i32, i32, i32
  }
  func.func @transform_5(%arg0: i32) -> (i32, i32, i32) {
    %c0_i32 = arith.constant 0 : i32
    %c0_i32_0 = arith.constant 0 : i32
    %c0_i32_1 = arith.constant 0 : i32
    return %arg0, %c0_i32, %c0_i32_0 : i32, i32, i32
  }
  func.func @transform_6(%arg0: i32) -> (i32, i32) {
    %c0_i32 = arith.constant 0 : i32
    %c0_i32_0 = arith.constant 0 : i32
    %c0_i32_1 = arith.constant 0 : i32
    return %c0_i32, %c0_i32_0 : i32, i32
  }
}

module attributes {stable_mosaic.version = 14 : i64} {
  func.func @_tc_body_b(%arg0: i32, %arg1: memref<1024x64xf32, #tpu.memory_space<vmem>>, %arg2: memref<64x1024xf32, #tpu.memory_space<vmem>>, %arg3: memref<1x1xf32, #tpu.memory_space<vmem>>, %arg4: memref<16x32x32xi32, #tpu.memory_space<any>>, %arg5: memref<16x1x1xf32, #tpu.memory_space<any>>, %arg6: memref<1x32x32xi32, #tpu.memory_space<vmem>>, %arg7: memref<1x1x1xf32, #tpu.memory_space<vmem>>, %arg8: memref<1024x64xf32, #tpu.memory_space<vmem>>, %arg9: memref<64x1024xf32, #tpu.memory_space<vmem>>, %arg10: memref<1x1024xf32, #tpu.memory_space<vmem>>, %arg11: memref<128x1024xf32, #tpu.memory_space<vmem>>) attributes {dimension_semantics = [#tpu.dimension_semantics<arbitrary>], iteration_bounds = array<i64: 8>, scalar_prefetch = 0 : i64, scratch_operands = 3 : i64, tpu.core_type = #tpu.core_type<tc>, window_params = [{transform_indices = @transform_0, window_bounds = array<i64: 1024, 64>}, {pipeline_mode = #tpu.pipeline_mode<synchronous>, transform_indices = @transform_1, window_bounds = array<i64: 64, 1024>}, {pipeline_mode = #tpu.pipeline_mode<synchronous>, transform_indices = @transform_2, window_bounds = array<i64: 1, 1>}, {}, {}, {transform_indices = @transform_5, window_bounds = array<i64: 1, 32, 32>}, {transform_indices = @transform_6, window_bounds = array<i64: 1, 1, 1>}, {transform_indices = @transform_7, window_bounds = array<i64: 1024, 64>}]} {
    %eq3A = arith.constant 0 : i32
    %eq3A_0 = arith.cmpi eq, %arg0, %eq3A : i32
    %convert_element_type3A = arith.extui %eq3A_0 : i1 to i32
    %cond3A = arith.constant 0 : i32
    %cond3A_1 = arith.cmpi ne, %convert_element_type3A, %cond3A : i32
    scf.if %cond3A_1 {
      %get3A_113 = arith.constant 0 : index
      %get3A_114 = arith.constant 0 : index
      %get3A_115 = vector.load %arg2[%get3A_113, %get3A_114] : memref<64x1024xf32, #tpu.memory_space<vmem>>, vector<64x1024xf32>
      %get3A_116 = arith.constant 0 : index
      %get3A_117 = arith.constant 0 : index
      %get3A_118 = vector.load %arg3[%get3A_116, %get3A_117] : memref<1x1xf32, #tpu.memory_space<vmem>>, vector<1x1xf32>
      %get3A_119 = vector.extract %get3A_118[0, 0] : f32 from vector<1x1xf32>
      %iota3A_120 = tpu.iota {dimensions = array<i32: 0>} : vector<64x1024xi32>
      %iota3A_121 = tpu.iota {dimensions = array<i32: 1>} : vector<64x1024xi32>
      %lt3A_122 = arith.constant 48 : i32
      %lt3A_123 = vector.broadcast %lt3A_122 : i32 to vector<64x1024xi32>
      %lt3A_124 = arith.cmpi slt, %iota3A_120, %lt3A_123 : vector<64x1024xi32>
      %lt3A_125 = arith.constant 896 : i32
      %lt3A_126 = vector.broadcast %lt3A_125 : i32 to vector<64x1024xi32>
      %lt3A_127 = arith.cmpi slt, %iota3A_121, %lt3A_126 : vector<64x1024xi32>
      %eq3A_128 = arith.xori %lt3A_124, %lt3A_127 : vector<64x1024xi1>
      %eq3A_129 = arith.constant dense<true> : vector<64x1024xi1>
      %eq3A_130 = arith.xori %eq3A_128, %eq3A_129 : vector<64x1024xi1>
      %convert_element_type3A_131 = arith.extui %eq3A_130 : vector<64x1024xi1> to vector<64x1024xi32>
      %convert_element_type3A_132 = arith.sitofp %convert_element_type3A_131 : vector<64x1024xi32> to vector<64x1024xf32>
      %mul3A_133 = arith.mulf %get3A_115, %convert_element_type3A_132 : vector<64x1024xf32>
      %mul3A_134 = vector.broadcast %get3A_119 : f32 to vector<64x1024xf32>
      %mul3A_135 = arith.mulf %mul3A_133, %mul3A_134 : vector<64x1024xf32>
      %swap3A_136 = arith.constant 0 : index
      %swap3A_137 = arith.constant 0 : index
      %swap3A_138 = vector.load %arg9[%swap3A_136, %swap3A_137] : memref<64x1024xf32, #tpu.memory_space<vmem>>, vector<64x1024xf32>
      tpu.vector_store %arg9[%swap3A_136, %swap3A_137], %mul3A_135 {strides = array<i32>} : memref<64x1024xf32, #tpu.memory_space<vmem>>, vector<64x1024xf32>,
      %mul3A_139 = arith.mulf %mul3A_135, %mul3A_135 : vector<64x1024xf32>
      %reduce_sum3A_140 = arith.constant dense<0.000000e+00> : vector<1024xf32>
      %reduce_sum3A_141 = vector.multi_reduction <add>, %mul3A_139, %reduce_sum3A_140 [0] : vector<64x1024xf32> to vector<1024xf32>
      %broadcast_in_dim3A_142 = vector.shape_cast %reduce_sum3A_141 : vector<1024xf32> to vector<1x1024xf32>
      %swap3A_143 = arith.constant 0 : index
      %swap3A_144 = arith.constant 0 : index
      %swap3A_145 = vector.load %arg10[%swap3A_143, %swap3A_144] : memref<1x1024xf32, #tpu.memory_space<vmem>>, vector<1x1024xf32>
      tpu.vector_store %arg10[%swap3A_143, %swap3A_144], %broadcast_in_dim3A_142 {strides = array<i32>} : memref<1x1024xf32, #tpu.memory_space<vmem>>, vector<1x1024xf32>,
      %convert_element_type3A_146 = arith.truncf %mul3A_135 : vector<64x1024xf32> to vector<64x1024xbf16>
      %convert_element_type3A_147 = arith.extf %convert_element_type3A_146 : vector<64x1024xbf16> to vector<64x1024xf32>
      %sub3A_148 = arith.subf %mul3A_135, %convert_element_type3A_147 : vector<64x1024xf32>
      %concatenate3A = tpu.concatenate %convert_element_type3A_147, %sub3A_148 in 0 : vector<64x1024xf32>, vector<64x1024xf32> -> vector<128x1024xf32>
      %swap3A_149 = arith.constant 0 : index
      %swap3A_150 = arith.constant 0 : index
      %swap3A_151 = vector.load %arg11[%swap3A_149, %swap3A_150] : memref<128x1024xf32, #tpu.memory_space<vmem>>, vector<128x1024xf32>
      tpu.vector_store %arg11[%swap3A_149, %swap3A_150], %concatenate3A {strides = array<i32>} : memref<128x1024xf32, #tpu.memory_space<vmem>>, vector<128x1024xf32>,
    } else {
    }
    %get3A = arith.constant 0 : index
    %get3A_2 = arith.constant 0 : index
    %get3A_3 = vector.load %arg1[%get3A, %get3A_2] : memref<1024x64xf32, #tpu.memory_space<vmem>>, vector<1024x64xf32>
    %get3A_4 = arith.constant 0 : index
    %get3A_5 = arith.constant 0 : index
    %get3A_6 = vector.load %arg9[%get3A_4, %get3A_5] : memref<64x1024xf32, #tpu.memory_space<vmem>>, vector<64x1024xf32>
    %get3A_7 = arith.constant 0 : index
    %get3A_8 = arith.constant 0 : index
    %get3A_9 = vector.load %arg10[%get3A_7, %get3A_8] : memref<1x1024xf32, #tpu.memory_space<vmem>>, vector<1x1024xf32>
    %dot_general3A = arith.constant dense<0.000000e+00> : vector<1024x1024xf32>
    %dot_general3A_10 = tpu.matmul %get3A_3, %get3A_6, %dot_general3A {dimension_numbers = #tpu.dot_dimension_numbers<[1], [0], [0], [1], [0, 0, 1, 1], [], []>, transpose_lhs_hint = false} : vector<1024x64xf32>, vector<64x1024xf32>, vector<1024x1024xf32> -> vector<1024x1024xf32>
    %mul3A = arith.constant 2.000000e+00 : f32
    %mul3A_11 = vector.broadcast %mul3A : f32 to vector<1024x1024xf32>
    %mul3A_12 = arith.mulf %mul3A_11, %dot_general3A_10 : vector<1024x1024xf32>
    %sub3A = vector.broadcast %get3A_9 : vector<1x1024xf32> to vector<1024x1024xf32>
    %sub3A_13 = arith.subf %sub3A, %mul3A_12 : vector<1024x1024xf32>
    %reduce_min3A = arith.constant dense<0x7F800000> : vector<1024xf32>
    %reduce_min3A_14 = vector.multi_reduction <minimumf>, %sub3A_13, %reduce_min3A [1] : vector<1024x1024xf32> to vector<1024xf32>
    %broadcast_in_dim3A = vector.shape_cast %reduce_min3A_14 : vector<1024xf32> to vector<1024x1xf32>
    %le3A = vector.broadcast %broadcast_in_dim3A : vector<1024x1xf32> to vector<1024x1024xf32>
    %le3A_15 = arith.cmpf ole, %sub3A_13, %le3A : vector<1024x1024xf32>
    %convert_element_type3A_16 = arith.extui %le3A_15 : vector<1024x1024xi1> to vector<1024x1024xi32>
    %convert_element_type3A_17 = arith.sitofp %convert_element_type3A_16 : vector<1024x1024xi32> to vector<1024x1024xf32>
    %iota3A = tpu.iota {dimensions = array<i32: 0>} : vector<2x1024xi32>
    %iota3A_18 = tpu.iota {dimensions = array<i32: 1>} : vector<2x1024xi32>
    %eq3A_19 = arith.constant 0 : i32
    %eq3A_20 = vector.broadcast %eq3A_19 : i32 to vector<2x1024xi32>
    %eq3A_21 = arith.cmpi eq, %iota3A, %eq3A_20 : vector<2x1024xi32>
    %jit3A = arith.constant 8 : i32
    %div3A = vector.broadcast %jit3A : i32 to vector<2x1024xi32>
    %div3A_22 = arith.divsi %iota3A_18, %div3A : vector<2x1024xi32>
    %sign3A = arith.constant 0 : i32
    %sign3A_23 = vector.broadcast %sign3A : i32 to vector<2x1024xi32>
    %sign3A_24 = arith.cmpi sgt, %iota3A_18, %sign3A_23 : vector<2x1024xi32>
    %sign3A_25 = arith.extui %sign3A_24 : vector<2x1024xi1> to vector<2x1024xi32>
    %sign3A_26 = arith.constant 0 : i32
    %sign3A_27 = vector.broadcast %sign3A_26 : i32 to vector<2x1024xi32>
    %sign3A_28 = arith.cmpi slt, %iota3A_18, %sign3A_27 : vector<2x1024xi32>
    %sign3A_29 = arith.extui %sign3A_28 : vector<2x1024xi1> to vector<2x1024xi32>
    %sign3A_30 = arith.subi %sign3A_25, %sign3A_29 : vector<2x1024xi32>
    %sign3A_31 = arith.constant 0 : i32
    %sign3A_32 = arith.cmpi sgt, %jit3A, %sign3A_31 : i32
    %sign3A_33 = arith.extui %sign3A_32 : i1 to i32
    %sign3A_34 = arith.constant 0 : i32
    %sign3A_35 = arith.cmpi slt, %jit3A, %sign3A_34 : i32
    %sign3A_36 = arith.extui %sign3A_35 : i1 to i32
    %sign3A_37 = arith.subi %sign3A_33, %sign3A_36 : i32
    %ne3A = vector.broadcast %sign3A_37 : i32 to vector<2x1024xi32>
    %ne3A_38 = arith.cmpi ne, %sign3A_30, %ne3A : vector<2x1024xi32>
    %rem3A = vector.broadcast %jit3A : i32 to vector<2x1024xi32>
    %rem3A_39 = arith.remsi %iota3A_18, %rem3A : vector<2x1024xi32>
    %ne3A_40 = arith.constant 0 : i32
    %ne3A_41 = vector.broadcast %ne3A_40 : i32 to vector<2x1024xi32>
    %ne3A_42 = arith.cmpi ne, %rem3A_39, %ne3A_41 : vector<2x1024xi32>
    %and3A = arith.andi %ne3A_38, %ne3A_42 : vector<2x1024xi1>
    %sub3A_43 = arith.constant 1 : i32
    %sub3A_44 = vector.broadcast %sub3A_43 : i32 to vector<2x1024xi32>
    %sub3A_45 = arith.subi %div3A_22, %sub3A_44 : vector<2x1024xi32>
    %select_n3A = arith.select %and3A, %sub3A_45, %div3A_22 : vector<2x1024xi1>, vector<2x1024xi32>
    %jit3A_46 = arith.constant 8 : i32
    %eq3A_47 = arith.constant 0 : i32
    %eq3A_48 = arith.cmpi eq, %jit3A_46, %eq3A_47 : i32
    %jit3A_49 = arith.constant 1 : i32
    %select_n3A_50 = arith.select %eq3A_48, %jit3A_49, %jit3A_46 : i32
    %rem3A_51 = vector.broadcast %select_n3A_50 : i32 to vector<2x1024xi32>
    %rem3A_52 = arith.remsi %iota3A_18, %rem3A_51 : vector<2x1024xi32>
    %ne3A_53 = arith.constant 0 : i32
    %ne3A_54 = vector.broadcast %ne3A_53 : i32 to vector<2x1024xi32>
    %ne3A_55 = arith.cmpi ne, %rem3A_52, %ne3A_54 : vector<2x1024xi32>
    %lt3A = arith.constant 0 : i32
    %lt3A_56 = vector.broadcast %lt3A : i32 to vector<2x1024xi32>
    %lt3A_57 = arith.cmpi slt, %rem3A_52, %lt3A_56 : vector<2x1024xi32>
    %lt3A_58 = arith.constant 0 : i32
    %lt3A_59 = arith.cmpi slt, %select_n3A_50, %lt3A_58 : i32
    %ne3A_60 = vector.broadcast %lt3A_59 : i1 to vector<2x1024xi1>
    %ne3A_61 = vector.broadcast %ne3A_60 : vector<2x1024xi1> to vector<2x1024xi1>
    %ne3A_62 = arith.xori %lt3A_57, %ne3A_61 : vector<2x1024xi1>
    %and3A_63 = arith.andi %ne3A_62, %ne3A_55 : vector<2x1024xi1>
    %add3A = vector.broadcast %select_n3A_50 : i32 to vector<2x1024xi32>
    %add3A_64 = arith.addi %rem3A_52, %add3A : vector<2x1024xi32>
    %select_n3A_65 = arith.select %and3A_63, %add3A_64, %rem3A_52 : vector<2x1024xi1>, vector<2x1024xi32>
    %select_n3A_66 = arith.select %eq3A_21, %select_n3A, %select_n3A_65 : vector<2x1024xi1>, vector<2x1024xi32>
    %convert_element_type3A_67 = arith.sitofp %select_n3A_66 : vector<2x1024xi32> to vector<2x1024xf32>
    %dot_general3A_68 = arith.constant dense<0.000000e+00> : vector<2x1024xf32>
    %dot_general3A_69 = tpu.matmul %convert_element_type3A_67, %convert_element_type3A_17, %dot_general3A_68 {dimension_numbers = #tpu.dot_dimension_numbers<[1], [1], [0], [0], [0, 0, 1, 0], [], []>, transpose_lhs_hint = false} : vector<2x1024xf32>, vector<1024x1024xf32>, vector<2x1024xf32> -> vector<2x1024xf32>
    %slice3A = vector.extract_strided_slice %dot_general3A_69 {offsets = [0, 0], sizes = [1, 1024], strides = [1, 1]} : vector<2x1024xf32> to vector<1x1024xf32>
    %mul3A_70 = arith.constant 8.000000e+00 : f32
    %mul3A_71 = vector.broadcast %mul3A_70 : f32 to vector<1x1024xf32>
    %mul3A_72 = arith.mulf %mul3A_71, %slice3A : vector<1x1024xf32>
    %slice3A_73 = vector.extract_strided_slice %dot_general3A_69 {offsets = [1, 0], sizes = [1, 1024], strides = [1, 1]} : vector<2x1024xf32> to vector<1x1024xf32>
    %add3A_74 = arith.addf %mul3A_72, %slice3A_73 : vector<1x1024xf32>
    %min3A = arith.constant 1.023000e+03 : f32
    %min3A_75 = vector.broadcast %min3A : f32 to vector<1x1024xf32>
    %min3A_76 = arith.minimumf %add3A_74, %min3A_75 : vector<1x1024xf32>
    %convert_element_type3A_77 = arith.fptosi %min3A_76 : vector<1x1024xf32> to vector<1x1024xi32>
    %mul3A_78 = arith.mulf %get3A_3, %get3A_3 : vector<1024x64xf32>
    %reduce_sum3A = arith.constant dense<0.000000e+00> : vector<1024xf32>
    %reduce_sum3A_79 = vector.multi_reduction <add>, %mul3A_78, %reduce_sum3A [1] : vector<1024x64xf32> to vector<1024xf32>
    %broadcast_in_dim3A_80 = vector.shape_cast %reduce_sum3A_79 : vector<1024xf32> to vector<1024x1xf32>
    %reduce_sum3A_81 = vector.shape_cast %broadcast_in_dim3A_80 : vector<1024x1xf32> to vector<1x1024x1xf32>
    %reduce_sum3A_82 = arith.constant dense<0.000000e+00> : vector<1xf32>
    %reduce_sum3A_83 = vector.multi_reduction <add>, %reduce_sum3A_81, %reduce_sum3A_82 [1, 2] : vector<1x1024x1xf32> to vector<1xf32>
    %reduce_sum3A_84 = vector.shape_cast %reduce_sum3A_83 : vector<1xf32> to vector<1x1x1xf32>
    %reduce_sum3A_85 = vector.extract %reduce_sum3A_84[0, 0, 0] : f32 from vector<1x1x1xf32>
    %reduce_sum3A_86 = vector.shape_cast %broadcast_in_dim3A : vector<1024x1xf32> to vector<1x1024x1xf32>
    %reduce_sum3A_87 = arith.constant dense<0.000000e+00> : vector<1xf32>
    %reduce_sum3A_88 = vector.multi_reduction <add>, %reduce_sum3A_86, %reduce_sum3A_87 [1, 2] : vector<1x1024x1xf32> to vector<1xf32>
    %reduce_sum3A_89 = vector.shape_cast %reduce_sum3A_88 : vector<1xf32> to vector<1x1x1xf32>
    %reduce_sum3A_90 = vector.extract %reduce_sum3A_89[0, 0, 0] : f32 from vector<1x1x1xf32>
    %add3A_91 = arith.addf %reduce_sum3A_85, %reduce_sum3A_90 : f32
    %div3A_92 = arith.constant 6.553600e+04 : f32
    %div3A_93 = arith.divf %add3A_91, %div3A_92 : f32
    %reshape3A = vector.shape_cast %convert_element_type3A_77 : vector<1x1024xi32> to vector<1x32x32xi32>
    %swap3A = arith.constant 0 : index
    %swap3A_94 = arith.constant 0 : index
    %swap3A_95 = arith.constant 0 : index
    %swap3A_96 = vector.load %arg6[%swap3A, %swap3A_94, %swap3A_95] : memref<1x32x32xi32, #tpu.memory_space<vmem>>, vector<1x32x32xi32>
    tpu.vector_store %arg6[%swap3A, %swap3A_94, %swap3A_95], %reshape3A {strides = array<i32>} : memref<1x32x32xi32, #tpu.memory_space<vmem>>, vector<1x32x32xi32>,
    %reshape3A_97 = vector.broadcast %div3A_93 : f32 to vector<1x1x1xf32>
    %swap3A_98 = arith.constant 0 : index
    %swap3A_99 = arith.constant 0 : index
    %swap3A_100 = arith.constant 0 : index
    %swap3A_101 = vector.load %arg7[%swap3A_98, %swap3A_99, %swap3A_100] : memref<1x1x1xf32, #tpu.memory_space<vmem>>, vector<1x1x1xf32>
    tpu.vector_store %arg7[%swap3A_98, %swap3A_99, %swap3A_100], %reshape3A_97 {strides = array<i32>} : memref<1x1x1xf32, #tpu.memory_space<vmem>>, vector<1x1x1xf32>,
    %get3A_102 = arith.constant 0 : index
    %get3A_103 = arith.constant 0 : index
    %get3A_104 = vector.load %arg11[%get3A_102, %get3A_103] : memref<128x1024xf32, #tpu.memory_space<vmem>>, vector<128x1024xf32>
    %dot_general3A_105 = arith.constant dense<0.000000e+00> : vector<1024x128xf32>
    %dot_general3A_106 = tpu.matmul %convert_element_type3A_17, %get3A_104, %dot_general3A_105 {dimension_numbers = #tpu.dot_dimension_numbers<[1], [1], [0], [0], [0, 0, 1, 0], [], []>, transpose_lhs_hint = false} : vector<1024x1024xf32>, vector<128x1024xf32>, vector<1024x128xf32> -> vector<1024x128xf32>
    %slice3A_107 = vector.extract_strided_slice %dot_general3A_106 {offsets = [0, 0], sizes = [1024, 64], strides = [1, 1]} : vector<1024x128xf32> to vector<1024x64xf32>
    %slice3A_108 = vector.extract_strided_slice %dot_general3A_106 {offsets = [0, 64], sizes = [1024, 64], strides = [1, 1]} : vector<1024x128xf32> to vector<1024x64xf32>
    %add3A_109 = arith.addf %slice3A_107, %slice3A_108 : vector<1024x64xf32>
    %swap3A_110 = arith.constant 0 : index
    %swap3A_111 = arith.constant 0 : index
    %swap3A_112 = vector.load %arg8[%swap3A_110, %swap3A_111] : memref<1024x64xf32, #tpu.memory_space<vmem>>, vector<1024x64xf32>
    tpu.vector_store %arg8[%swap3A_110, %swap3A_111], %add3A_109 {strides = array<i32>} : memref<1024x64xf32, #tpu.memory_space<vmem>>, vector<1024x64xf32>,
    return
  }
  func.func @transform_0(%arg0: i32) -> (i32, i32) {
    %add3A = arith.constant 8 : i32
    %add3A_0 = arith.addi %arg0, %add3A : i32
    %c0_i32 = arith.constant 0 : i32
    %c0_i32_1 = arith.constant 0 : i32
    return %add3A_0, %c0_i32 : i32, i32
  }
  func.func @transform_1(%arg0: i32) -> (i32, i32) {
    %c0_i32 = arith.constant 0 : i32
    %c0_i32_0 = arith.constant 0 : i32
    %c0_i32_1 = arith.constant 0 : i32
    return %c0_i32, %c0_i32_0 : i32, i32
  }
  func.func @transform_2(%arg0: i32) -> (i32, i32) {
    %c0_i32 = arith.constant 0 : i32
    %c0_i32_0 = arith.constant 0 : i32
    %c0_i32_1 = arith.constant 0 : i32
    return %c0_i32, %c0_i32_0 : i32, i32
  }
  func.func @transform_5(%arg0: i32) -> (i32, i32, i32) {
    %add3A = arith.constant 8 : i32
    %add3A_0 = arith.addi %arg0, %add3A : i32
    %c0_i32 = arith.constant 0 : i32
    %c0_i32_1 = arith.constant 0 : i32
    %c0_i32_2 = arith.constant 0 : i32
    return %add3A_0, %c0_i32, %c0_i32_1 : i32, i32, i32
  }
  func.func @transform_6(%arg0: i32) -> (i32, i32, i32) {
    %add3A = arith.constant 8 : i32
    %add3A_0 = arith.addi %arg0, %add3A : i32
    %c0_i32 = arith.constant 0 : i32
    %c0_i32_1 = arith.constant 0 : i32
    %c0_i32_2 = arith.constant 0 : i32
    return %add3A_0, %c0_i32, %c0_i32_1 : i32, i32, i32
  }
  func.func @transform_7(%arg0: i32) -> (i32, i32) {
    %c0_i32 = arith.constant 0 : i32
    %c0_i32_0 = arith.constant 0 : i32
    return %arg0, %c0_i32 : i32, i32
  }
}

</mosaic_0001>

<sc_bundles>
// kernel: kernel.5.cloned.1.call-start
scs
__scs_entry_jumppad:
0x0: {  	(pc) =	sbr.rel $0x88, $3  }
0x1: {  	(tag) =	ssettag $0x0;
	lr =	simm.s32 $0x1  }
0x2: {  	[smem:$0x3F9E] =	sst lr;
	_ =	strace $0xD0000000  }
0x3: {  	_ = 	snop  }
0x4: {  	_ = 	snop  }
0x5: {  	_ = 	snop  }
0x6: {  	_ = 	snop  }
0x7: {  	_ = 	snop  }
__scs_overlays_trampoline_lowered:
0x8: {  	[smem:$0x3FAD] =	sst s0  }
0x9: {  	[smem:$0x3FAE] =	sst s1  }
0xa: {  	[smem:$0x3FAF] =	sst s2  }
0xb: {  	[smem:$0x3FB0] =	sst s3  }
0xc: {  	[smem:$0x3FB1] =	sst s4  }
0xd: {  	[smem:$0x3FB2] =	sst s5  }
0xe: {  	[smem:$0x3FB3] =	sst s6  }
0xf: {  	[smem:$0x3FB4] =	sst s7  }
0x10: {  	[smem:$0x3FB5] =	sst s8  }
0x11: {  	[smem:$0x3FB6] =	sst s9;
	s0 =	simm.s32 @!p0 $0x0  }
0x12: {  	s1 =	sld [smem:$0x3F9C];
	s0 =	simm.s32 @p0 $0x1  }
0x13: {  	[smem:$0x3FB7] =	sst s0;
	s0 =	simm.s32 @!p1 $0x0  }
0x14: {  	s2 =	sld [smem:$0x3F9B];
	s0 =	simm.s32 @p1 $0x1  }
0x15: {  	[smem:$0x3FB8] =	sst s0;
	s0 =	simm.s32 @!p2 $0x0  }
0x16: {  	s3 =	sld [smem:$0x3FDB];
	s0 =	simm.s32 @p2 $0x1  }
0x17: {  	s4 =	simm.s32 $0x1BF5;
	[smem:$0x3FBA] =	sst s0  }
0x18: {  	s0 =	sld [smem:$0x3F9D];
	_ =	swait.ge [sflag:s4], $0x0  }
0x19: {  	s7 =	sld [smem:$0x3F9E]  }
0x1a: {  	s8 =	sadd.s32 $0xFFFFE003, lr  }
0x1b: {  	s9 =	sadd.s32 $0xFFFFFEF7, lr;
	s5 =	simm.s32 $0xFFFFFFFF;
	p2 =	slt.u32 s8, $0xFFFFF086  }
0x1c: {  	p1 =	slt.u32 s9, $0xF7A;
	s5 =	simm.s32 @!p2 $0x0  }
0x1d: {  	s5 =	simm.s32 @p1 $0x1;
	p0 =	seq.s32 s7, s2  }
0x1e: {  	s7 =	smul.u32 @!p0 $0xF7A, s2;
	p2 =	seq.s32 @!p0 s5, $0x0  }
0x1f: {  	s9 =	smul.u32 $0xF7A, s1;
	s8 =	simm.s32 @!p0 $0x1BF5;
	p2 =	por !p2, p0  }
0x20: {  	[sflag:s8] =	ssyncset.s32 @!p0 $0xFFFFF086;
	s6 =	sadd.s32 @!p0 s3, s7;
	s7 =	simm.s32 @!p0 $0x108  }
0x21: {  	s3 =	sadd.s32 s3, s9;
	s6 =	sadd.s32 @!p0 $0x88, s6;
	s7 =	simm.s32 @p2 $0x1082  }
0x22: {  	[simem:s7], [sflag:s8] =	dma.local @!p0 [hbm:s6], $0xF7A  }
0x23: {  	s9 =	sor.u32 $0xD0000000, s2;
	s6 =	simm.s32 $0x108;
	_ =	swait.ge @!p0 [sflag:s8], $0x0  }
0x24: {  	s3 =	sadd.s32 $0x88, s3;
	s6 =	simm.s32 @!p1 $0x1082;
	[sflag:s4] =	ssyncset.s32 $0xFFFFF086  }
0x25: {  	[simem:s6], [sflag:s4] =	dma.local [hbm:s3], $0xF7A  }
0x26: {  	[smem:$0x3F9E] =	sst s1;
	(tag) =	ssettag s2;
	_ =	strace s9  }
0x27: {  	s1 =	sld [smem:$0x3FAE]  }
0x28: {  	s2 =	sld [smem:$0x3FAF]  }
0x29: {  	s4 =	sld [smem:$0x3FB1]  }
0x2a: {  	p0 =	seq.s32 s5, $0x0;
	s5 =	sld [smem:$0x3FB2]  }
0x2b: {  	s6 =	sld [smem:$0x3FB3]  }
0x2c: {  	s7 =	sld [smem:$0x3FB4]  }
0x2d: {  	s3 =	simm.s32 $0x108;
	s8 =	sld [smem:$0x3FB5]  }
0x2e: {  	s3 =	simm.s32 @!p0 $0x1082;
	s9 =	sld [smem:$0x3FB6]  }
0x2f: {  	lr =	sadd.s32 s0, s3;
	s0 =	sld [smem:$0x3FAD]  }
0x30: {  	s3 =	sld [smem:$0x3FB0]  }
0x31: {  	[smem:$0x3FB9] =	sst s10  }
0x32: {  	s10 =	sld [smem:$0x3FB7];
	_ =	sdelay $0x3  }
0x33: {  	p0 =	seq.s32 s10, $0x1;
	s10 =	sld [smem:$0x3FB9];
	_ =	sdelay $0x3  }
0x34: {  	[smem:$0x3FB9] =	sst s10  }
0x35: {  	s10 =	sld [smem:$0x3FB8];
	_ =	sdelay $0x3  }
0x36: {  	p1 =	seq.s32 s10, $0x1;
	s10 =	sld [smem:$0x3FB9];
	_ =	sdelay $0x3  }
0x37: {  	[smem:$0x3FB9] =	sst s10  }
0x38: {  	s10 =	sld [smem:$0x3FBA]  }
0x39: {  	_ = 	snop;
	(pc) =	sbr.ind lr, $3  }
0x3a: {  	_ = 	snop  }
0x3b: {  	_ = 	snop  }
0x3c: {  	p2 =	seq.s32 s10, $0x1;
	s10 =	sld [smem:$0x3FB9]  }
0x3d: {  	_ =	shalt  }
0x3e: {  	_ =	shalt  }
0x3f: {  	_ =	shalt  }
0x40: {  	_ =	shalt  }
0x41: {  	_ =	shalt  }
0x42: {  	_ =	shalt  }
0x43: {  	_ =	shalt  }
0x44: {  	_ =	shalt  }
0x45: {  	_ =	shalt  }
0x46: {  	_ =	shalt  }
0x47: {  	_ =	shalt  }
0x48: {  	_ =	shalt  }
0x49: {  	_ =	shalt  }
0x4a: {  	_ =	shalt  }
0x4b: {  	_ =	shalt  }
0x4c: {  	_ =	shalt  }
0x4d: {  	_ =	shalt  }
0x4e: {  	_ =	shalt  }
0x4f: {  	_ =	shalt  }
0x50: {  	_ =	shalt  }
0x51: {  	_ =	shalt  }
0x52: {  	_ =	shalt  }
0x53: {  	_ =	shalt  }
0x54: {  	_ =	shalt  }
0x55: {  	_ =	shalt  }
0x56: {  	_ =	shalt  }
0x57: {  	_ =	shalt  }
0x58: {  	_ =	shalt  }
0x59: {  	_ =	shalt  }
0x5a: {  	_ =	shalt  }
0x5b: {  	_ =	shalt  }
0x5c: {  	_ =	shalt  }
0x5d: {  	_ =	shalt  }
0x5e: {  	_ =	shalt  }
0x5f: {  	_ =	shalt  }
0x60: {  	_ =	shalt  }
0x61: {  	_ =	shalt  }
0x62: {  	_ =	shalt  }
0x63: {  	_ =	shalt  }
0x64: {  	_ =	shalt  }
0x65: {  	_ =	shalt  }
0x66: {  	_ =	shalt  }
0x67: {  	_ =	shalt  }
0x68: {  	_ =	shalt  }
0x69: {  	_ =	shalt  }
0x6a: {  	_ =	shalt  }
0x6b: {  	_ =	shalt  }
0x6c: {  	_ =	shalt  }
0x6d: {  	_ =	shalt  }
0x6e: {  	_ =	shalt  }
0x6f: {  	_ =	shalt  }
0x70: {  	_ =	shalt  }
0x71: {  	_ =	shalt  }
0x72: {  	_ =	shalt  }
0x73: {  	_ =	shalt  }
0x74: {  	_ =	shalt  }
0x75: {  	_ =	shalt  }
0x76: {  	_ =	shalt  }
0x77: {  	_ =	shalt  }
0x78: {  	_ =	shalt  }
0x79: {  	_ =	shalt  }
0x7a: {  	_ =	shalt  }
0x7b: {  	_ =	shalt  }
0x7c: {  	_ =	shalt  }
0x7d: {  	_ =	shalt  }
0x7e: {  	_ =	shalt  }
0x7f: {  	_ =	shalt  }
0x80: {  	_ =	shalt  }
0x81: {  	_ =	shalt  }
0x82: {  	_ =	shalt  }
0x83: {  	_ =	shalt  }
0x84: {  	_ =	shalt  }
0x85: {  	_ =	shalt  }
0x86: {  	_ =	shalt  }
0x87: {  	_ =	shalt  }
.Lfunc_end0:
.L_simem_size_0:
called_computation_lowered:
.L_overlay_start_0:
0x88: {  	s2 =	sld [smem:$0x3FD9]  }
0x89: {  	s3 =	sld [smem:$0x3FFE];
	_ =	sdelay $0x1  }
0x8a: {  	s1 =	srdreg.scid  }
0x8b: {  	s0 =	sand.u32 $0x1, s1  }
0x8c: {  	s14 =	sshll.u32 s0, $0xA;
	s2 =	sadd.s32 s3, s2  }
0x8d: {  	s2 =	sadd.s32 s2, s14  }
0x8e: {  	[smem:$0x3FC5] =	sst s2  }
0x8f: {  	_ = 	snop  }
0x90: {  	s2 =	sld [smem:$0x3FD0];
	_ =	sdelay $0x2  }
0x91: {  	s15 =	simm.s32 $0xA;
	s4 =	simm.s32 $0x10  }
0x92: {  	[smem:s4], [sflag:s15] =	dma.local [hbm:s2], $0x1  }
0x93: {  	_ =	swait.eq [sflag:s15], $0x1  }
0x94: {  	[sflag:s15] =	ssyncset.done $0x0  }
0x95: {  	[sflag:s15] =	ssyncadd.s32 $0xFFFFFFFF  }
0x96: {  	s16 =	sld [smem:$0x10];
	(tm) =	ssettm $0x1  }
0x97: {  	s17 =	sld [smem:$0x3FFB];
	_ =	sdelay $0x3  }
0x98: {  	_ =	strace s17  }
0x99: {  	s3 =	sld [smem:$0x3FFC];
	_ =	sdelay $0x3  }
0x9a: {  	_ =	strace s3  }
0x9b: {  	s3 =	sld [smem:$0x3FFD];
	_ =	sdelay $0x3  }
0x9c: {  	_ =	strace s3  }
0x9d: {  	_ =	strace $0x8FFFFFFF  }
0x9e: {  	s18 =	sld [smem:$0x3FDB];
	_ =	sdelay $0x1  }
0x9f: {  	s19 =	simm.s32 $_scs_section_size  }
0xa0: {  	s5 =	simm.s32 $_size__tile_overlayer_lowered;
	s6 =	simm.s32 $_tile_overlayer_lowered  }
0xa1: {  	s22 =	simm.s32 $0x1BFF;
	s21 =	sshll.u32 s6, $0x1;
	s3 =	sadd.s32 s19, s18  }
0xa2: {  	s7 =	simm.s32 $0x0;
	s20 =	sshll.u32 s5, $0x1;
	s5 =	sadd.s32 s21, s3  }
0xa3: {  	[timem:s7], [sflag:s22] =	dma.local [hbm:s5], s20  }
0xa4: {  	_ =	swait.ge [sflag:s22], s20  }
0xa5: {  	s4 =	ssub.s32 $0x0, s20;
	[sflag:s22] =	ssyncset.done $0x0  }
0xa6: {  	[sflag:s22] =	ssyncadd.s32 s4;
	_ =	sdelay $0x1  }
0xa7: {  	s23 =	simm.s32 $0x1B8B  }
0xa8: {  	_ =	swait.ge [sflag:s23], $0x1  }
0xa9: {  	[sflag:s23] =	ssyncset.done $0x0  }
0xaa: {  	s25 =	simm.s32 $0x1B8E;
	s24 =	sld [smem:$0x3FFE];
	[sflag:s23] =	ssyncadd.s32 $0xFFFFFFFF  }
0xab: {  	s26 =	simm.s32 $execute0_lowered;
	[smem:$0x3FD2] =	sst s25  }
0xac: {  	s5 =	sshll.u32 s26, $0x1;
	_ =	strace $0x80000046;
	[dreg:$0x1] =	wrdreg $0xFFFFFFFF  }
0xad: {  	s28 =	simm.s32 $_size_execute0_lowered;
	s3 =	sadd.s32 s3, s5;
	[dreg:$0x0] =	wrdreg $0x0  }
0xae: {  	s5 =	sshll.u32 s28, $0x1;
	[dreg:$0x2] =	wrdreg s3  }
0xaf: {  	[dreg:$0x3] =	wrdreg s5  }
0xb0: {  	[dreg:$0x4] =	wrdreg $0xC0  }
0xb1: {  	_ =	task [dreg:s7], $0x5FFFF  }
0xb2: {  	[dreg:$0x1] =	wrdreg $0xFFFFFFFF  }
0xb3: {  	[dreg:$0x0] =	wrdreg $0x60  }
0xb4: {  	[dreg:$0x2] =	wrdreg s16  }
0xb5: {  	[dreg:$0x3] =	wrdreg s24  }
0xb6: {  	[dreg:$0x4] =	wrdreg $0x9  }
0xb7: {  	_ =	task.clear_ibuf [dreg:s7], $0x5FFFF;
	_ =	strace $0x90000046  }
0xb8: {  	s29 =	simm.s32 $0x9;
	_ =	strace $0x80000048  }
0xb9: {  	_ =	swait.ge [sflag:s29], $0x1  }
0xba: {  	[sflag:s29] =	ssyncadd.s32 $0xFFFFFFFF  }
0xbb: {  	_ =	strace $0x90000048  }
0xbc: {  	_ =	sfence  }
0xbd: {  	s30 =	sld [smem:$0x0];
	_ =	sdelay $0x2  }
0xbe: {  	s31 =	sshll.u32 s1, $0xD;
	s1 =	sshrl.u32 s1, $0x2  }
0xbf: {  	s3 =	sand.u32 $0x4000, s31;
	s1 =	sadd.s32 s1, s30  }
0xc0: {  	s0 =	sor.u32 s3, s0;
	s1 =	sshll.u32 s1, $0x11  }
0xc1: {  	s0 =	sor.u32 s1, s0  }
0xc2: {  	s0 =	sadd.s32 $0x8F2B, s0  }
0xc3: {  	[sflag:s0] =	ssyncadd.remote.s32 $0x1  }
0xc4: {  	_ =	sfence.sel $0xFFFF  }
0xc5: {  	[dreg:$0x0] =	wrdreg $0xFFFFFFFF;
	(pc) =	sbr.abs _section_cstart, $3  }
0xc6: {  	[dreg:$0x1] =	wrdreg $0xFFFFFFFF  }
0xc7: {  	_ =	task.clear_ibuf [dreg:s7], $0x2FFFF;
	_ =	strace $0x9FFFFFFF  }
0xc8: {  	(tm) =	ssettm $0x7FFFFFFF  }
0xc9: {  	_ =	shalt  }
tec
execute0_lowered:
.L_overlay_start_1:
0x0: {  	(tag) =	ssettag $0x1  }
0x1: {  	s1 =	srdreg.scid;
	s0 =	stileid.u32  }
0x2: {  	s11 =	sand.u32 $0x1, s1;
	s31 =	sshll.u32 s0, $0x1  }
0x3: {  	s2 =	rddreg [dreg:$0x0];
	s12 =	sor.u32 s11, s31  }
0x4: {  	s10 =	rddreg [dreg:$0x1];
	s3 =	simm.s32 $0x0;
	s4 =	sshll.u32 s12, $0x5  }
0x5: {  	s5 =	simm.s32 $0x3;
	[smem:$0x7FF] =	sst s3;
	s4 =	sadd.s32 s4, s10  }
0x6: {  	s1 =	rddreg [dreg:$0x2];
	_ =	strace $0x80000047;
	s4 =	sadd.s32 $0x1600, s4  }
0x7: {  	[tilespmem:s3], [sflag:$0x3] =	stream.linear.gather [hbm4b:s4+s3], $0x100, $0x38;
	[tilespmem:$0x8100] =	vst v63  }
0x8: {  	_ =	swait.ge [sflag:s5], $0x100  }
0x9: {  	[sflag:s5] =	ssyncset.done $0x0  }
0xa: {  	s6 =	simm.s32 $0x80;
	s7 =	simm.s32 $0x100;
	[sflag:s5] =	ssyncadd.s32 $0xFFFFFF00  }
0xb: {  	[tilespmem:s7], [sflag:$0x1] =	stream.indirect.gather [hbm4b:s2+s6], $0x80, s3, s6, $0xb8;
	[tilespmem:$0x8100] =	vst v63  }
0xc: {  	s8 =	simm.s32 $0x4100;
	s9 =	simm.s32 $0x1  }
0xd: {  	[tilespmem:s8], [sflag:$0x1] =	stream.indirect.gather [hbm4b:s2+s6], $0x80, s6, s6, $0xb8;
	[tilespmem:$0x8100] =	vst v63  }
0xe: {  	s12 =	sshll.u32 s12, $0xC;
	_ =	swait.ge [sflag:s9], $0x4000  }
0xf: {  	s13 =	ssub.s32 $0x2, s11;
	s12 =	sadd.s32 s12, s10;
	[sflag:s9] =	ssyncset.done $0x0  }
0x10: {  	s14 =	sshrl.u32 s13, $0x1;
	s10 =	sadd.s32 $0x1A00, s12;
	[sflag:s9] =	ssyncadd.s32 $0xFFFFC000  }
0x11: {  	[hbm4b:s10+s3] =	stream.linear.scatter [tilespmem:s7], [sflag:$0x2], $0x4000, $0x38;
	[tilespmem:$0x8100] =	vst v63  }
0x12: {  	s13 =	ssub.s32 s13, s14;
	_ =	swait.ge [sflag:s9], $0x4000  }
0x13: {  	s11 =	simm.s32 $0x2;
	s13 =	smax.u32 s13, $0x1;
	[sflag:s9] =	ssyncset.done $0x0  }
0x14: {  	s12 =	sadd.s32 $0x2200, s12;
	p0 =	sne.s32 s13, $0x1;
	[sflag:s9] =	ssyncadd.s32 $0xFFFFC000  }
0x15: {  	[hbm4b:s12+s3] =	stream.linear.scatter [tilespmem:s8], [sflag:$0x2], $0x4000, $0x38;
	[tilespmem:$0x8100] =	vst v63  }
.Ltmp0:
0x16: {  	_ =	swait.ge [sflag:s11], $0x4000;
	(pc) =	sbr.rel @!p0 .LBB2_2-.Ltmp0, $4  }
0x17: {  	[sflag:s11] =	ssyncset.done $0x0  }
0x18: {  	[sflag:s11] =	ssyncadd.s32 $0xFFFFC000  }
0x19: {  	_ =	swait.ge [sflag:s11], $0x4000  }
0x1a: {  	s13 =	sadd.s32 $0xFFFFFFFF, s13;
	[sflag:s11] =	ssyncset.done $0x0  }
.LBB2_1:
0x1b: {  	p0 =	sne.s32 s13, $0x1;
	s13 =	sadd.s32 $0xFFFFFFFF, s13;
	[sflag:s11] =	ssyncadd.s32 $0xFFFFC000  }
0x1c: {  	[tilespmem:s3], [sflag:$0x3] =	stream.linear.gather [hbm4b:s4+s3], $0x100, $0x38;
	[tilespmem:$0x8100] =	vst v63  }
0x1d: {  	_ =	swait.ge [sflag:s5], $0x100  }
0x1e: {  	[sflag:s5] =	ssyncset.done $0x0  }
0x1f: {  	[sflag:s5] =	ssyncadd.s32 $0xFFFFFF00  }
0x20: {  	[tilespmem:s7], [sflag:$0x1] =	stream.indirect.gather [hbm4b:s2+s6], $0x80, s3, s6, $0xb8;
	[tilespmem:$0x8100] =	vst v63  }
0x21: {  	_ = 	snop  }
0x22: {  	[tilespmem:s8], [sflag:$0x1] =	stream.indirect.gather [hbm4b:s2+s6], $0x80, s6, s6, $0xb8;
	[tilespmem:$0x8100] =	vst v63  }
0x23: {  	_ =	swait.ge [sflag:s9], $0x4000  }
0x24: {  	[sflag:s9] =	ssyncset.done $0x0  }
0x25: {  	[sflag:s9] =	ssyncadd.s32 $0xFFFFC000  }
0x26: {  	[hbm4b:s10+s3] =	stream.linear.scatter [tilespmem:s7], [sflag:$0x2], $0x4000, $0x38;
	[tilespmem:$0x8100] =	vst v63  }
0x27: {  	_ =	swait.ge [sflag:s9], $0x4000  }
0x28: {  	[sflag:s9] =	ssyncset.done $0x0  }
0x29: {  	[sflag:s9] =	ssyncadd.s32 $0xFFFFC000  }
0x2a: {  	[hbm4b:s12+s3] =	stream.linear.scatter [tilespmem:s8], [sflag:$0x2], $0x4000, $0x38;
	[tilespmem:$0x8100] =	vst v63  }
.Ltmp1:
0x2b: {  	_ =	swait.ge [sflag:s11], $0x4000;
	(pc) =	sbr.rel @p0 .LBB2_1-.Ltmp1, $4  }
0x2c: {  	[sflag:s11] =	ssyncset.done $0x0  }
0x2d: {  	[sflag:s11] =	ssyncadd.s32 $0xFFFFC000  }
0x2e: {  	_ =	swait.ge [sflag:s11], $0x4000  }
0x2f: {  	[sflag:s11] =	ssyncset.done $0x0  }
.LBB2_2:
0x30: {  	[sflag:s11] =	ssyncadd.s32 $0xFFFFC000  }
0x31: {  	_ =	sfence.sel $0x180000  }
0x32: {  	[bflag:$0x0] =	sbarrier.arrive $0xFFFF  }
0x33: {  	p0 =	sne.s32 s0, $0x0;
	_ =	strace $0x90000047  }
0x34: {  	s0 =	sadd.s32 @!p0 $0x100000, s1;
	[bflag:$0x2] =	sbarrier.arrive $0xFFFF  }
0x35: {  	[sflag:s0] =	ssyncadd.tile.s32 @!p0 $0x1;
	_ =	shalt  }
.Lfunc_end2:
_tile_overlayer_lowered:
.L_overlay_start_2:
0x36: {  	(tag) =	ssettag $0x2  }
0x37: {  	s0 =	rddreg [dreg:$0x0];
	s2 =	stileid.u32  }
0x38: {  	s1 =	rddreg [dreg:$0x1];
	p0 =	sne.s32 s2, $0x0  }
0x39: {  	s3 =	rddreg [dreg:$0x2];
	[bflag:$0x3] =	sbarrier.arrive $0xFFFF;
	s2 =	simm.s32 @!p0 $0x1C03  }
0x3a: {  	[timem:s3], [sflag:s2] =	dma.local @!p0 [hbm:s0], s1  }
0x3b: {  	s0 =	simm.s32 @!p0 $0x3  }
0x3c: {  	_ =	swait.ge @!p0 [sflag:s0], s1  }
0x3d: {  	s1 =	ssub.s32 @!p0 $0x0, s1;
	[sflag:s0] =	ssyncset.done @!p0 $0x0  }
0x3e: {  	[sflag:s0] =	ssyncadd.s32 @!p0 s1  }
0x3f: {  	[bflag:$0x3] =	sbarrier.arrive $0xFFFF  }
0x40: {  	_ =	shalt  }

</sc_bundles>
